<compile_context>
chip_gen: v7x
topology: tpu7x:2x2x1
jax: 0.10.2.dev20260603
libtpu: 0.0.44.dev20260713+nightly
codegen_flags: <defaults>
</compile_context>

<pallas_src>
import functools

import jax
import jax.numpy as jnp
from jax import lax
from jax.experimental import pallas as pl
from jax.experimental.pallas import tpu as pltpu
from jax.experimental.pallas import tpu_sc as plsc

N = 10000
E = 320000
NC = 2
NS = 16
L = 16
NW = NC * NS
EPW = E // NW
G = EPW // L
HR = 80
R = 2 * HR

_mesh = plsc.VectorSubcoreMesh(
    core_axis_name="c", subcore_axis_name="s", num_cores=NC, num_subcores=NS)
_sc_params = pltpu.CompilerParams(needs_layout_passes=False)


@functools.partial(
    pl.kernel,
    out_type=jax.ShapeDtypeStruct((NW * R, 128), jnp.float32),
    mesh=_mesh,
    scratch_types=[
        pltpu.VMEM((EPW,), jnp.int32),
        pltpu.VMEM((EPW,), jnp.int32),
        pltpu.VMEM((R, 128), jnp.float32),
    ],
    compiler_params=_sc_params,
)
def _deg_kernel(ei, out, src_v, dst_v, deg_v):
    wid = lax.axis_index("s") * NC + lax.axis_index("c")
    base = wid * EPW
    pltpu.sync_copy(ei.at[pl.ds(base, EPW)], src_v)
    pltpu.sync_copy(ei.at[pl.ds(E + base, EPW)], dst_v)

    zero = jnp.zeros((L,), jnp.float32)

    @plsc.parallel_loop(0, R, unroll=4)
    def _zero(r):
        for k in range(8):
            deg_v[r, pl.ds(k * L, L)] = zero

    ones = jnp.ones((L,), jnp.float32)
    hr = jnp.int32(HR)
    m7 = jnp.int32(127)

    @plsc.parallel_loop(0, G, unroll=5)
    def _scatter(g):
        off = g * L
        s = src_v[pl.ds(off, L)]
        d = dst_v[pl.ds(off, L)]
        plsc.addupdate_scatter(deg_v, [s >> 7, s & m7], ones)
        plsc.addupdate_scatter(deg_v, [(d >> 7) + hr, d & m7], ones)

    pltpu.sync_copy(deg_v, out.at[pl.ds(wid * R, R)])


def _rne_hi16(b):
    lsb = (b >> 16) & jnp.uint32(1)
    return (b + jnp.uint32(0x7FFF) + lsb) >> 16


def _mm(x_ref, wg_ref, cw_ref, we_ref, fw_ref, q_ref):
    wy = jnp.dot(wg_ref[...], cw_ref[...], preferred_element_type=jnp.float32,
                 precision=lax.Precision.HIGHEST)
    ws = jnp.dot(we_ref[...], fw_ref[...], preferred_element_type=jnp.float32,
                 precision=lax.Precision.HIGHEST)
    w2 = jnp.concatenate([wy, ws], axis=1)
    q2 = jnp.dot(x_ref[...], w2, preferred_element_type=jnp.float32)
    by = _rne_hi16(lax.bitcast_convert_type(q2[:, 0:1], jnp.uint32))
    bs = _rne_hi16(lax.bitcast_convert_type(q2[:, 1:2], jnp.uint32))
    packed = lax.bitcast_convert_type((by << 16) | bs, jnp.int32)
    q_ref[...] = jnp.concatenate(
        [packed, jnp.zeros((HR * 128 - N, 1), jnp.int32)], axis=0)


_mm_call = pl.pallas_call(
    _mm,
    out_shape=jax.ShapeDtypeStruct((HR * 128, 1), jnp.int32),
)


def _norms(degp_ref, q_ref, u_ref, in_ref):
    deg = degp_ref[0:R, :]
    for i in range(1, NW):
        deg = deg + degp_ref[i * R:(i + 1) * R, :]
    nrm = jnp.where(deg > 0, 1.0 / jnp.sqrt(jnp.maximum(deg, 1.0)), 0.0)
    onorm = nrm[0:HR, :]
    in_ref[...] = nrm[HR:R, :]
    qb = lax.bitcast_convert_type(q_ref[...], jnp.uint32)
    uy = lax.bitcast_convert_type(qb & jnp.uint32(0xFFFF0000),
                                  jnp.float32) * onorm
    us = lax.bitcast_convert_type(qb << 16, jnp.float32) * onorm
    by = _rne_hi16(lax.bitcast_convert_type(uy, jnp.uint32))
    bs = _rne_hi16(lax.bitcast_convert_type(us, jnp.uint32))
    u_ref[...] = lax.bitcast_convert_type((by << 16) | bs, jnp.int32)


_norm_call = pl.pallas_call(
    _norms,
    out_shape=(
        jax.ShapeDtypeStruct((HR, 128), jnp.int32),
        jax.ShapeDtypeStruct((HR, 128), jnp.float32),
    ),
)


@functools.partial(
    pl.kernel,
    out_type=jax.ShapeDtypeStruct((NW * R, 128), jnp.float32),
    mesh=_mesh,
    scratch_types=[
        pltpu.VMEM((EPW,), jnp.int32),
        pltpu.VMEM((EPW,), jnp.int32),
        pltpu.VMEM((HR, 128), jnp.int32),
        pltpu.VMEM((R, 128), jnp.float32),
    ],
    compiler_params=_sc_params,
)
def _edge_kernel(ei, u_hbm, out, src_v, dst_v, u_v, acc_v):
    wid = lax.axis_index("s") * NC + lax.axis_index("c")
    base = wid * EPW
    pltpu.sync_copy(ei.at[pl.ds(base, EPW)], src_v)
    pltpu.sync_copy(ei.at[pl.ds(E + base, EPW)], dst_v)
    pltpu.sync_copy(u_hbm, u_v)

    zero = jnp.zeros((L,), jnp.float32)

    @plsc.parallel_loop(0, R, unroll=4)
    def _zero(r):
        for k in range(8):
            acc_v[r, pl.ds(k * L, L)] = zero

    hr = jnp.int32(HR)
    m7 = jnp.int32(127)
    hi_mask = jnp.full((L,), -65536, jnp.int32)
    sixteen = jnp.int32(16)

    @plsc.parallel_loop(0, G, unroll=10)
    def _scatter(g):
        off = g * L
        s = src_v[pl.ds(off, L)]
        d = dst_v[pl.ds(off, L)]
        ug = plsc.load_gather(u_v, [s >> 7, s & m7])
        gy = plsc.bitcast(ug & hi_mask, jnp.float32)
        gs = plsc.bitcast(ug << sixteen, jnp.float32)
        dr = d >> 7
        dc = d & m7
        plsc.addupdate_scatter(acc_v, [dr, dc], gy)
        plsc.addupdate_scatter(acc_v, [dr + hr, dc], gs)

    pltpu.sync_copy(acc_v, out.at[pl.ds(wid * R, R)])


def _finish(accp_ref, nrm_ref, bg_ref, cw_ref, cb_ref, be_ref, fw_ref, fb_ref,
            y2_ref):
    acc = accp_ref[0:R, :]
    for i in range(1, NW):
        acc = acc + accp_ref[i * R:(i + 1) * R, :]
    inorm = nrm_ref[...]
    cy = jnp.dot(bg_ref[...], cw_ref[...], preferred_element_type=jnp.float32,
                 precision=lax.Precision.HIGHEST)[0, 0] + cb_ref[0, 0]
    cs = jnp.dot(be_ref[...], fw_ref[...], preferred_element_type=jnp.float32,
                 precision=lax.Precision.HIGHEST)[0, 0] + fb_ref[0, 0]
    y2_ref[...] = jnp.concatenate(
        [acc[0:HR, :] * inorm + cy, acc[HR:R, :] * inorm + cs], axis=0)


_fin_call = pl.pallas_call(
    _finish,
    out_shape=jax.ShapeDtypeStruct((R, 128), jnp.float32),
)


def kernel(x, edge_index, W_gnn, b_gnn, W_est, b_est, fc_est_w, fc_est_b,
           cls_w, cls_b):
    ei_flat = edge_index.reshape(2 * E)
    degp = _deg_kernel(ei_flat)
    q = _mm_call(x, W_gnn, cls_w, W_est, fc_est_w)
    u, inorm = _norm_call(degp, q.reshape(HR, 128))
    accp = _edge_kernel(ei_flat, u)
    y2 = _fin_call(accp, inorm,
                   b_gnn.reshape(1, 128), cls_w, cls_b.reshape(1, 1),
                   b_est.reshape(1, 128), fc_est_w, fc_est_b.reshape(1, 1))
    y = y2[0:HR, :].reshape(HR * 128)[0:N].reshape(N, 1)
    s = y2[HR:R, :].reshape(HR * 128)[0:N].reshape(N, 1)
    return (y, s)

# --- scband reference (transcript-rebuilt; emitter-appended) ---
"""Pipeline reference for scband-fair-gnn-32701880992253 (READ-ONLY COPY).

The authoritative reference and input builder live on the scoring server;
editing this copy changes nothing except your own understanding.
"""

import jax, jax.numpy as jnp
import numpy as np

N = 10000
E = 320000
NFEAT = 128
NHID = 128
HIDDEN = 128

def setup_inputs(seed: int = 0) -> dict:
    key = jax.random.key(seed)
    ks = jax.random.split(key, 10)
    x = jax.random.normal(ks[0], (N, NFEAT), dtype=jnp.float32)
    edge_index = jax.random.randint(ks[1], (2, E), 0, N, dtype=jnp.int32)
    # GNN body: GraphConv(nfeat, num_hidden)
    W_gnn = jax.random.normal(ks[2], (NFEAT, NHID), dtype=jnp.float32) * (1.0 / np.sqrt(NFEAT))
    b_gnn = jnp.zeros((NHID,), dtype=jnp.float32)
    # estimator: GCN = GraphConv(nfeat, hidden) + Linear(hidden, 1)
    W_est = jax.random.normal(ks[3], (NFEAT, HIDDEN), dtype=jnp.float32) * (1.0 / np.sqrt(NFEAT))
    b_est = jnp.zeros((HIDDEN,), dtype=jnp.float32)
    fc_est_w = jax.random.normal(ks[4], (HIDDEN, 1), dtype=jnp.float32) * (1.0 / np.sqrt(HIDDEN))
    fc_est_b = jnp.zeros((1,), dtype=jnp.float32)
    # classifier: Linear(num_hidden, 1)
    cls_w = jax.random.normal(ks[5], (NHID, 1), dtype=jnp.float32) * (1.0 / np.sqrt(NHID))
    cls_b = jnp.zeros((1,), dtype=jnp.float32)
    return {"x": x, "edge_index": edge_index, "W_gnn": W_gnn, "b_gnn": b_gnn,
            "W_est": W_est, "b_est": b_est, "fc_est_w": fc_est_w, "fc_est_b": fc_est_b,
            "cls_w": cls_w, "cls_b": cls_b}

def graph_conv(x, edge_index, W, b):
    # DGL GraphConv with norm='both': D_dst^{-1/2} A D_src^{-1/2} X W + b
    src = edge_index[0]
    dst = edge_index[1]
    ones = jnp.ones((src.shape[0],), dtype=jnp.float32)
    out_deg = jax.ops.segment_sum(ones, src, num_segments=N)
    in_deg = jax.ops.segment_sum(ones, dst, num_segments=N)
    out_norm = jnp.where(out_deg > 0, 1.0 / jnp.sqrt(jnp.maximum(out_deg, 1.0)), 0.0)
    in_norm = jnp.where(in_deg > 0, 1.0 / jnp.sqrt(jnp.maximum(in_deg, 1.0)), 0.0)
    h = x * out_norm[:, None]
    msgs = jnp.take(h, src, axis=0)
    agg = jax.ops.segment_sum(msgs, dst, num_segments=N)
    agg = agg * in_norm[:, None]
    return agg @ W + b

def reference(x, edge_index, W_gnn, b_gnn, W_est, b_est, fc_est_w, fc_est_b, cls_w, cls_b):
    # s = estimator(g, x): GraphConv body then Linear to 1
    s_body = graph_conv(x, edge_index, W_est, b_est)
    s = s_body @ fc_est_w + fc_est_b
    # z = GNN(g, x): GCN_Body = GraphConv(nfeat, nhid)
    z = graph_conv(x, edge_index, W_gnn, b_gnn)
    # y = classifier(z)
    y = z @ cls_w + cls_b
    return (y, s)

if __name__ == "__main__":
    import jax
    _d = setup_inputs()
    print(jax.jit(kernel)(*tuple(_d.values())))

</pallas_src>

<mosaic_0001>
#map = affine_map<(d0, d1) -> (0)>
#map1 = affine_map<(d0, d1) -> (0, 0)>
module attributes {stable_mosaic.version = 14 : i64} {
  func.func @_deg_kernel(%arg0: i32, %arg1: i32, %arg2: memref<640000xi32, #tpu.memory_space<hbm>>, %arg3: memref<5120x128xf32, #tpu.memory_space<hbm>>, %arg4: memref<10000xi32, #tpu.memory_space<vmem>>, %arg5: memref<10000xi32, #tpu.memory_space<vmem>>, %arg6: memref<160x128xf32, #tpu.memory_space<vmem>>) attributes {dimension_semantics = [#tpu.dimension_semantics<core_parallel>, #tpu.dimension_semantics<subcore_parallel>], iteration_bounds = array<i64: 2, 16>, scalar_prefetch = 0 : i64, scratch_operands = 3 : i64, tpu.core_type = #tpu.core_type<sc_vector_subcore>, window_params = [{transform_indices = #map}, {transform_indices = #map1}]} {
    %mul3A = arith.constant 2 : i32
    %mul3A_0 = arith.muli %arg1, %mul3A : i32
    %add3A = arith.addi %mul3A_0, %arg0 : i32
    %mul3A_1 = arith.constant 10000 : i32
    %mul3A_2 = arith.muli %add3A, %mul3A_1 : i32
    "tpu.region"() ({
      %run_scoped3A = tpu.sem_alloc : memref<!tpu.dma_semaphore, #tpu.memory_space<semaphore_mem>>
      %dma_start3A = tpu.memref_slice %arg2[%mul3A_2] : memref<640000xi32, #tpu.memory_space<hbm>> -> memref<10000xi32, #tpu.memory_space<hbm>>
      %dma_start3A_17 = tpu.memref_slice %arg2[%mul3A_2] : memref<640000xi32, #tpu.memory_space<hbm>> -> memref<10000xi32, #tpu.memory_space<hbm>>
      tpu.enqueue_dma source(%dma_start3A_17 : memref<10000xi32, #tpu.memory_space<hbm>>) target(%arg4 : memref<10000xi32, #tpu.memory_space<vmem>>) target_semaphore(%run_scoped3A : memref<!tpu.dma_semaphore, #tpu.memory_space<semaphore_mem>>)
      %dma_wait3A = tpu.memref_slice %arg2[%mul3A_2] : memref<640000xi32, #tpu.memory_space<hbm>> -> memref<10000xi32, #tpu.memory_space<hbm>>
      %dma_wait3A_18 = tpu.memref_slice %arg2[%mul3A_2] : memref<640000xi32, #tpu.memory_space<hbm>> -> memref<10000xi32, #tpu.memory_space<hbm>>
      tpu.wait_dma2 semaphore(%run_scoped3A : memref<!tpu.dma_semaphore, #tpu.memory_space<semaphore_mem>>) src(%dma_wait3A_18 : memref<10000xi32, #tpu.memory_space<hbm>>) dst(%arg4 : memref<10000xi32, #tpu.memory_space<vmem>>)
      tpu.yield
    }) : () -> ()
    %add3A_3 = arith.constant 320000 : i32
    %add3A_4 = arith.addi %add3A_3, %mul3A_2 : i32
    "tpu.region"() ({
      %run_scoped3A = tpu.sem_alloc : memref<!tpu.dma_semaphore, #tpu.memory_space<semaphore_mem>>
      %dma_start3A = tpu.memref_slice %arg2[%add3A_4] : memref<640000xi32, #tpu.memory_space<hbm>> -> memref<10000xi32, #tpu.memory_space<hbm>>
      %dma_start3A_17 = tpu.memref_slice %arg2[%add3A_4] : memref<640000xi32, #tpu.memory_space<hbm>> -> memref<10000xi32, #tpu.memory_space<hbm>>
      tpu.enqueue_dma source(%dma_start3A_17 : memref<10000xi32, #tpu.memory_space<hbm>>) target(%arg5 : memref<10000xi32, #tpu.memory_space<vmem>>) target_semaphore(%run_scoped3A : memref<!tpu.dma_semaphore, #tpu.memory_space<semaphore_mem>>)
      %dma_wait3A = tpu.memref_slice %arg2[%add3A_4] : memref<640000xi32, #tpu.memory_space<hbm>> -> memref<10000xi32, #tpu.memory_space<hbm>>
      %dma_wait3A_18 = tpu.memref_slice %arg2[%add3A_4] : memref<640000xi32, #tpu.memory_space<hbm>> -> memref<10000xi32, #tpu.memory_space<hbm>>
      tpu.wait_dma2 semaphore(%run_scoped3A : memref<!tpu.dma_semaphore, #tpu.memory_space<semaphore_mem>>) src(%dma_wait3A_18 : memref<10000xi32, #tpu.memory_space<hbm>>) dst(%arg5 : memref<10000xi32, #tpu.memory_space<vmem>>)
      tpu.yield
    }) : () -> ()
    %broadcast_in_dim3A = arith.constant 0.000000e+00 : f32
    %broadcast_in_dim3A_5 = vector.broadcast %broadcast_in_dim3A : f32 to vector<16xf32>
    %parallel_loop3A = arith.constant 0 : i32
    %parallel_loop3A_6 = arith.constant 160 : i32
    %parallel_loop3A_7 = arith.constant 1 : i32
    scf.for %parallel_loop3A_17 = %parallel_loop3A to %parallel_loop3A_6 step %parallel_loop3A_7  : i32 {
      %parallel_loop3A_18 = arith.index_cast %parallel_loop3A_17 : i32 to index
      %parallel_loop3A_19 = arith.constant 0 : index
      %parallel_loop3A_20 = tpu.vector_load %arg6[%parallel_loop3A_18, %parallel_loop3A_19] {strides = array<i32>} : memref<160x128xf32, #tpu.memory_space<vmem>>, vector<16xf32>,
      tpu.vector_store %arg6[%parallel_loop3A_18, %parallel_loop3A_19], %broadcast_in_dim3A_5 {strides = array<i32>} : memref<160x128xf32, #tpu.memory_space<vmem>>, vector<16xf32>,
      %parallel_loop3A_21 = arith.index_cast %parallel_loop3A_17 : i32 to index
      %parallel_loop3A_22 = arith.constant 16 : index
      %parallel_loop3A_23 = tpu.vector_load %arg6[%parallel_loop3A_21, %parallel_loop3A_22] {strides = array<i32>} : memref<160x128xf32, #tpu.memory_space<vmem>>, vector<16xf32>,
      tpu.vector_store %arg6[%parallel_loop3A_21, %parallel_loop3A_22], %broadcast_in_dim3A_5 {strides = array<i32>} : memref<160x128xf32, #tpu.memory_space<vmem>>, vector<16xf32>,
      %parallel_loop3A_24 = arith.index_cast %parallel_loop3A_17 : i32 to index
      %parallel_loop3A_25 = arith.constant 32 : index
      %parallel_loop3A_26 = tpu.vector_load %arg6[%parallel_loop3A_24, %parallel_loop3A_25] {strides = array<i32>} : memref<160x128xf32, #tpu.memory_space<vmem>>, vector<16xf32>,
      tpu.vector_store %arg6[%parallel_loop3A_24, %parallel_loop3A_25], %broadcast_in_dim3A_5 {strides = array<i32>} : memref<160x128xf32, #tpu.memory_space<vmem>>, vector<16xf32>,
      %parallel_loop3A_27 = arith.index_cast %parallel_loop3A_17 : i32 to index
      %parallel_loop3A_28 = arith.constant 48 : index
      %parallel_loop3A_29 = tpu.vector_load %arg6[%parallel_loop3A_27, %parallel_loop3A_28] {strides = array<i32>} : memref<160x128xf32, #tpu.memory_space<vmem>>, vector<16xf32>,
      tpu.vector_store %arg6[%parallel_loop3A_27, %parallel_loop3A_28], %broadcast_in_dim3A_5 {strides = array<i32>} : memref<160x128xf32, #tpu.memory_space<vmem>>, vector<16xf32>,
      %parallel_loop3A_30 = arith.index_cast %parallel_loop3A_17 : i32 to index
      %parallel_loop3A_31 = arith.constant 64 : index
      %parallel_loop3A_32 = tpu.vector_load %arg6[%parallel_loop3A_30, %parallel_loop3A_31] {strides = array<i32>} : memref<160x128xf32, #tpu.memory_space<vmem>>, vector<16xf32>,
      tpu.vector_store %arg6[%parallel_loop3A_30, %parallel_loop3A_31], %broadcast_in_dim3A_5 {strides = array<i32>} : memref<160x128xf32, #tpu.memory_space<vmem>>, vector<16xf32>,
      %parallel_loop3A_33 = arith.index_cast %parallel_loop3A_17 : i32 to index
      %parallel_loop3A_34 = arith.constant 80 : index
      %parallel_loop3A_35 = tpu.vector_load %arg6[%parallel_loop3A_33, %parallel_loop3A_34] {strides = array<i32>} : memref<160x128xf32, #tpu.memory_space<vmem>>, vector<16xf32>,
      tpu.vector_store %arg6[%parallel_loop3A_33, %parallel_loop3A_34], %broadcast_in_dim3A_5 {strides = array<i32>} : memref<160x128xf32, #tpu.memory_space<vmem>>, vector<16xf32>,
      %parallel_loop3A_36 = arith.index_cast %parallel_loop3A_17 : i32 to index
      %parallel_loop3A_37 = arith.constant 96 : index
      %parallel_loop3A_38 = tpu.vector_load %arg6[%parallel_loop3A_36, %parallel_loop3A_37] {strides = array<i32>} : memref<160x128xf32, #tpu.memory_space<vmem>>, vector<16xf32>,
      tpu.vector_store %arg6[%parallel_loop3A_36, %parallel_loop3A_37], %broadcast_in_dim3A_5 {strides = array<i32>} : memref<160x128xf32, #tpu.memory_space<vmem>>, vector<16xf32>,
      %parallel_loop3A_39 = arith.index_cast %parallel_loop3A_17 : i32 to index
      %parallel_loop3A_40 = arith.constant 112 : index
      %parallel_loop3A_41 = tpu.vector_load %arg6[%parallel_loop3A_39, %parallel_loop3A_40] {strides = array<i32>} : memref<160x128xf32, #tpu.memory_space<vmem>>, vector<16xf32>,
      tpu.vector_store %arg6[%parallel_loop3A_39, %parallel_loop3A_40], %broadcast_in_dim3A_5 {strides = array<i32>} : memref<160x128xf32, #tpu.memory_space<vmem>>, vector<16xf32>,
    } {sc.loop_unroll_factor = 4 : i64, sc.parallel_access}
    %broadcast_in_dim3A_8 = arith.constant 1.000000e+00 : f32
    %broadcast_in_dim3A_9 = vector.broadcast %broadcast_in_dim3A_8 : f32 to vector<16xf32>
    %parallel_loop3A_10 = arith.constant 0 : i32
    %parallel_loop3A_11 = arith.constant 625 : i32
    %parallel_loop3A_12 = arith.constant 1 : i32
    %parallel_loop3A_13 = arith.constant 127 : i32
    %parallel_loop3A_14 = arith.constant 80 : i32
    scf.for %parallel_loop3A_17 = %parallel_loop3A_10 to %parallel_loop3A_11 step %parallel_loop3A_12  : i32 {
      %parallel_loop3A_18 = arith.constant 16 : i32
      %parallel_loop3A_19 = arith.muli %parallel_loop3A_17, %parallel_loop3A_18 : i32
      %parallel_loop3A_20 = arith.index_cast %parallel_loop3A_19 : i32 to index
      %parallel_loop3A_21 = tpu.vector_load %arg4[%parallel_loop3A_20] {strides = array<i32>} : memref<10000xi32, #tpu.memory_space<vmem>>, vector<16xi32>,
      %parallel_loop3A_22 = arith.index_cast %parallel_loop3A_19 : i32 to index
      %parallel_loop3A_23 = tpu.vector_load %arg5[%parallel_loop3A_22] {strides = array<i32>} : memref<10000xi32, #tpu.memory_space<vmem>>, vector<16xi32>,
      %parallel_loop3A_24 = arith.constant 7 : i32
      %parallel_loop3A_25 = vector.broadcast %parallel_loop3A_24 : i32 to vector<16xi32>
      %parallel_loop3A_26 = arith.shrsi %parallel_loop3A_21, %parallel_loop3A_25 : vector<16xi32>
      %parallel_loop3A_27 = vector.broadcast %parallel_loop3A_13 : i32 to vector<16xi32>
      %parallel_loop3A_28 = arith.andi %parallel_loop3A_21, %parallel_loop3A_27 : vector<16xi32>
      tpu.vector_store_idx %arg6[%parallel_loop3A_26, %parallel_loop3A_28], %broadcast_in_dim3A_9 {add = true} : memref<160x128xf32, #tpu.memory_space<vmem>>[vector<16xi32>, vector<16xi32>], vector<16xf32>,
      %parallel_loop3A_29 = arith.constant 7 : i32
      %parallel_loop3A_30 = vector.broadcast %parallel_loop3A_29 : i32 to vector<16xi32>
      %parallel_loop3A_31 = arith.shrsi %parallel_loop3A_23, %parallel_loop3A_30 : vector<16xi32>
      %parallel_loop3A_32 = vector.broadcast %parallel_loop3A_14 : i32 to vector<16xi32>
      %parallel_loop3A_33 = arith.addi %parallel_loop3A_31, %parallel_loop3A_32 : vector<16xi32>
      %parallel_loop3A_34 = vector.broadcast %parallel_loop3A_13 : i32 to vector<16xi32>
      %parallel_loop3A_35 = arith.andi %parallel_loop3A_23, %parallel_loop3A_34 : vector<16xi32>
      tpu.vector_store_idx %arg6[%parallel_loop3A_33, %parallel_loop3A_35], %broadcast_in_dim3A_9 {add = true} : memref<160x128xf32, #tpu.memory_space<vmem>>[vector<16xi32>, vector<16xi32>], vector<16xf32>,
    } {sc.loop_unroll_factor = 5 : i64, sc.parallel_access}
    %mul3A_15 = arith.constant 160 : i32
    %mul3A_16 = arith.muli %add3A, %mul3A_15 : i32
    "tpu.region"() ({
      %run_scoped3A = tpu.sem_alloc : memref<!tpu.dma_semaphore, #tpu.memory_space<semaphore_mem>>
      %dma_start3A = arith.constant 0 : i32
      %dma_start3A_17 = tpu.memref_slice %arg3[%mul3A_16, %dma_start3A] : memref<5120x128xf32, #tpu.memory_space<hbm>> -> memref<160x128xf32, #tpu.memory_space<hbm>>
      %dma_start3A_18 = arith.constant 0 : i32
      %dma_start3A_19 = tpu.memref_slice %arg3[%mul3A_16, %dma_start3A_18] : memref<5120x128xf32, #tpu.memory_space<hbm>> -> memref<160x128xf32, #tpu.memory_space<hbm>>
      tpu.enqueue_dma source(%arg6 : memref<160x128xf32, #tpu.memory_space<vmem>>) target(%dma_start3A_19 : memref<160x128xf32, #tpu.memory_space<hbm>>) target_semaphore(%run_scoped3A : memref<!tpu.dma_semaphore, #tpu.memory_space<semaphore_mem>>)
      %dma_wait3A = arith.constant 0 : i32
      %dma_wait3A_20 = tpu.memref_slice %arg3[%mul3A_16, %dma_wait3A] : memref<5120x128xf32, #tpu.memory_space<hbm>> -> memref<160x128xf32, #tpu.memory_space<hbm>>
      %dma_wait3A_21 = arith.constant 0 : i32
      %dma_wait3A_22 = tpu.memref_slice %arg3[%mul3A_16, %dma_wait3A_21] : memref<5120x128xf32, #tpu.memory_space<hbm>> -> memref<160x128xf32, #tpu.memory_space<hbm>>
      tpu.wait_dma2 semaphore(%run_scoped3A : memref<!tpu.dma_semaphore, #tpu.memory_space<semaphore_mem>>) src(%arg6 : memref<160x128xf32, #tpu.memory_space<vmem>>) dst(%dma_wait3A_22 : memref<160x128xf32, #tpu.memory_space<hbm>>)
      tpu.yield
    }) : () -> ()
    return
  }
}

#map = affine_map<(d0, d1) -> (0)>
#map1 = affine_map<(d0, d1) -> (0, 0)>
module attributes {stable_mosaic.version = 14 : i64} {
  func.func @_edge_kernel(%arg0: i32, %arg1: i32, %arg2: memref<640000xi32, #tpu.memory_space<hbm>>, %arg3: memref<80x128xi32, #tpu.memory_space<hbm>>, %arg4: memref<5120x128xf32, #tpu.memory_space<hbm>>, %arg5: memref<10000xi32, #tpu.memory_space<vmem>>, %arg6: memref<10000xi32, #tpu.memory_space<vmem>>, %arg7: memref<80x128xi32, #tpu.memory_space<vmem>>, %arg8: memref<160x128xf32, #tpu.memory_space<vmem>>) attributes {dimension_semantics = [#tpu.dimension_semantics<core_parallel>, #tpu.dimension_semantics<subcore_parallel>], iteration_bounds = array<i64: 2, 16>, scalar_prefetch = 0 : i64, scratch_operands = 4 : i64, tpu.core_type = #tpu.core_type<sc_vector_subcore>, window_params = [{transform_indices = #map}, {transform_indices = #map1}, {transform_indices = #map1}]} {
    %mul3A = arith.constant 2 : i32
    %mul3A_0 = arith.muli %arg1, %mul3A : i32
    %add3A = arith.addi %mul3A_0, %arg0 : i32
    %mul3A_1 = arith.constant 10000 : i32
    %mul3A_2 = arith.muli %add3A, %mul3A_1 : i32
    "tpu.region"() ({
      %run_scoped3A = tpu.sem_alloc : memref<!tpu.dma_semaphore, #tpu.memory_space<semaphore_mem>>
      %dma_start3A = tpu.memref_slice %arg2[%mul3A_2] : memref<640000xi32, #tpu.memory_space<hbm>> -> memref<10000xi32, #tpu.memory_space<hbm>>
      %dma_start3A_18 = tpu.memref_slice %arg2[%mul3A_2] : memref<640000xi32, #tpu.memory_space<hbm>> -> memref<10000xi32, #tpu.memory_space<hbm>>
      tpu.enqueue_dma source(%dma_start3A_18 : memref<10000xi32, #tpu.memory_space<hbm>>) target(%arg5 : memref<10000xi32, #tpu.memory_space<vmem>>) target_semaphore(%run_scoped3A : memref<!tpu.dma_semaphore, #tpu.memory_space<semaphore_mem>>)
      %dma_wait3A = tpu.memref_slice %arg2[%mul3A_2] : memref<640000xi32, #tpu.memory_space<hbm>> -> memref<10000xi32, #tpu.memory_space<hbm>>
      %dma_wait3A_19 = tpu.memref_slice %arg2[%mul3A_2] : memref<640000xi32, #tpu.memory_space<hbm>> -> memref<10000xi32, #tpu.memory_space<hbm>>
      tpu.wait_dma2 semaphore(%run_scoped3A : memref<!tpu.dma_semaphore, #tpu.memory_space<semaphore_mem>>) src(%dma_wait3A_19 : memref<10000xi32, #tpu.memory_space<hbm>>) dst(%arg5 : memref<10000xi32, #tpu.memory_space<vmem>>)
      tpu.yield
    }) : () -> ()
    %add3A_3 = arith.constant 320000 : i32
    %add3A_4 = arith.addi %add3A_3, %mul3A_2 : i32
    "tpu.region"() ({
      %run_scoped3A = tpu.sem_alloc : memref<!tpu.dma_semaphore, #tpu.memory_space<semaphore_mem>>
      %dma_start3A = tpu.memref_slice %arg2[%add3A_4] : memref<640000xi32, #tpu.memory_space<hbm>> -> memref<10000xi32, #tpu.memory_space<hbm>>
      %dma_start3A_18 = tpu.memref_slice %arg2[%add3A_4] : memref<640000xi32, #tpu.memory_space<hbm>> -> memref<10000xi32, #tpu.memory_space<hbm>>
      tpu.enqueue_dma source(%dma_start3A_18 : memref<10000xi32, #tpu.memory_space<hbm>>) target(%arg6 : memref<10000xi32, #tpu.memory_space<vmem>>) target_semaphore(%run_scoped3A : memref<!tpu.dma_semaphore, #tpu.memory_space<semaphore_mem>>)
      %dma_wait3A = tpu.memref_slice %arg2[%add3A_4] : memref<640000xi32, #tpu.memory_space<hbm>> -> memref<10000xi32, #tpu.memory_space<hbm>>
      %dma_wait3A_19 = tpu.memref_slice %arg2[%add3A_4] : memref<640000xi32, #tpu.memory_space<hbm>> -> memref<10000xi32, #tpu.memory_space<hbm>>
      tpu.wait_dma2 semaphore(%run_scoped3A : memref<!tpu.dma_semaphore, #tpu.memory_space<semaphore_mem>>) src(%dma_wait3A_19 : memref<10000xi32, #tpu.memory_space<hbm>>) dst(%arg6 : memref<10000xi32, #tpu.memory_space<vmem>>)
      tpu.yield
    }) : () -> ()
    "tpu.region"() ({
      %run_scoped3A = tpu.sem_alloc : memref<!tpu.dma_semaphore, #tpu.memory_space<semaphore_mem>>
      tpu.enqueue_dma source(%arg3 : memref<80x128xi32, #tpu.memory_space<hbm>>) target(%arg7 : memref<80x128xi32, #tpu.memory_space<vmem>>) target_semaphore(%run_scoped3A : memref<!tpu.dma_semaphore, #tpu.memory_space<semaphore_mem>>)
      tpu.wait_dma2 semaphore(%run_scoped3A : memref<!tpu.dma_semaphore, #tpu.memory_space<semaphore_mem>>) src(%arg3 : memref<80x128xi32, #tpu.memory_space<hbm>>) dst(%arg7 : memref<80x128xi32, #tpu.memory_space<vmem>>)
      tpu.yield
    }) : () -> ()
    %broadcast_in_dim3A = arith.constant 0.000000e+00 : f32
    %broadcast_in_dim3A_5 = vector.broadcast %broadcast_in_dim3A : f32 to vector<16xf32>
    %parallel_loop3A = arith.constant 0 : i32
    %parallel_loop3A_6 = arith.constant 160 : i32
    %parallel_loop3A_7 = arith.constant 1 : i32
    scf.for %parallel_loop3A_18 = %parallel_loop3A to %parallel_loop3A_6 step %parallel_loop3A_7  : i32 {
      %parallel_loop3A_19 = arith.index_cast %parallel_loop3A_18 : i32 to index
      %parallel_loop3A_20 = arith.constant 0 : index
      %parallel_loop3A_21 = tpu.vector_load %arg8[%parallel_loop3A_19, %parallel_loop3A_20] {strides = array<i32>} : memref<160x128xf32, #tpu.memory_space<vmem>>, vector<16xf32>,
      tpu.vector_store %arg8[%parallel_loop3A_19, %parallel_loop3A_20], %broadcast_in_dim3A_5 {strides = array<i32>} : memref<160x128xf32, #tpu.memory_space<vmem>>, vector<16xf32>,
      %parallel_loop3A_22 = arith.index_cast %parallel_loop3A_18 : i32 to index
      %parallel_loop3A_23 = arith.constant 16 : index
      %parallel_loop3A_24 = tpu.vector_load %arg8[%parallel_loop3A_22, %parallel_loop3A_23] {strides = array<i32>} : memref<160x128xf32, #tpu.memory_space<vmem>>, vector<16xf32>,
      tpu.vector_store %arg8[%parallel_loop3A_22, %parallel_loop3A_23], %broadcast_in_dim3A_5 {strides = array<i32>} : memref<160x128xf32, #tpu.memory_space<vmem>>, vector<16xf32>,
      %parallel_loop3A_25 = arith.index_cast %parallel_loop3A_18 : i32 to index
      %parallel_loop3A_26 = arith.constant 32 : index
      %parallel_loop3A_27 = tpu.vector_load %arg8[%parallel_loop3A_25, %parallel_loop3A_26] {strides = array<i32>} : memref<160x128xf32, #tpu.memory_space<vmem>>, vector<16xf32>,
      tpu.vector_store %arg8[%parallel_loop3A_25, %parallel_loop3A_26], %broadcast_in_dim3A_5 {strides = array<i32>} : memref<160x128xf32, #tpu.memory_space<vmem>>, vector<16xf32>,
      %parallel_loop3A_28 = arith.index_cast %parallel_loop3A_18 : i32 to index
      %parallel_loop3A_29 = arith.constant 48 : index
      %parallel_loop3A_30 = tpu.vector_load %arg8[%parallel_loop3A_28, %parallel_loop3A_29] {strides = array<i32>} : memref<160x128xf32, #tpu.memory_space<vmem>>, vector<16xf32>,
      tpu.vector_store %arg8[%parallel_loop3A_28, %parallel_loop3A_29], %broadcast_in_dim3A_5 {strides = array<i32>} : memref<160x128xf32, #tpu.memory_space<vmem>>, vector<16xf32>,
      %parallel_loop3A_31 = arith.index_cast %parallel_loop3A_18 : i32 to index
      %parallel_loop3A_32 = arith.constant 64 : index
      %parallel_loop3A_33 = tpu.vector_load %arg8[%parallel_loop3A_31, %parallel_loop3A_32] {strides = array<i32>} : memref<160x128xf32, #tpu.memory_space<vmem>>, vector<16xf32>,
      tpu.vector_store %arg8[%parallel_loop3A_31, %parallel_loop3A_32], %broadcast_in_dim3A_5 {strides = array<i32>} : memref<160x128xf32, #tpu.memory_space<vmem>>, vector<16xf32>,
      %parallel_loop3A_34 = arith.index_cast %parallel_loop3A_18 : i32 to index
      %parallel_loop3A_35 = arith.constant 80 : index
      %parallel_loop3A_36 = tpu.vector_load %arg8[%parallel_loop3A_34, %parallel_loop3A_35] {strides = array<i32>} : memref<160x128xf32, #tpu.memory_space<vmem>>, vector<16xf32>,
      tpu.vector_store %arg8[%parallel_loop3A_34, %parallel_loop3A_35], %broadcast_in_dim3A_5 {strides = array<i32>} : memref<160x128xf32, #tpu.memory_space<vmem>>, vector<16xf32>,
      %parallel_loop3A_37 = arith.index_cast %parallel_loop3A_18 : i32 to index
      %parallel_loop3A_38 = arith.constant 96 : index
      %parallel_loop3A_39 = tpu.vector_load %arg8[%parallel_loop3A_37, %parallel_loop3A_38] {strides = array<i32>} : memref<160x128xf32, #tpu.memory_space<vmem>>, vector<16xf32>,
      tpu.vector_store %arg8[%parallel_loop3A_37, %parallel_loop3A_38], %broadcast_in_dim3A_5 {strides = array<i32>} : memref<160x128xf32, #tpu.memory_space<vmem>>, vector<16xf32>,
      %parallel_loop3A_40 = arith.index_cast %parallel_loop3A_18 : i32 to index
      %parallel_loop3A_41 = arith.constant 112 : index
      %parallel_loop3A_42 = tpu.vector_load %arg8[%parallel_loop3A_40, %parallel_loop3A_41] {strides = array<i32>} : memref<160x128xf32, #tpu.memory_space<vmem>>, vector<16xf32>,
      tpu.vector_store %arg8[%parallel_loop3A_40, %parallel_loop3A_41], %broadcast_in_dim3A_5 {strides = array<i32>} : memref<160x128xf32, #tpu.memory_space<vmem>>, vector<16xf32>,
    } {sc.loop_unroll_factor = 4 : i64, sc.parallel_access}
    %broadcast_in_dim3A_8 = arith.constant -65536 : i32
    %broadcast_in_dim3A_9 = vector.broadcast %broadcast_in_dim3A_8 : i32 to vector<16xi32>
    %parallel_loop3A_10 = arith.constant 0 : i32
    %parallel_loop3A_11 = arith.constant 625 : i32
    %parallel_loop3A_12 = arith.constant 1 : i32
    %parallel_loop3A_13 = arith.constant 127 : i32
    %parallel_loop3A_14 = arith.constant 16 : i32
    %parallel_loop3A_15 = arith.constant 80 : i32
    scf.for %parallel_loop3A_18 = %parallel_loop3A_10 to %parallel_loop3A_11 step %parallel_loop3A_12  : i32 {
      %parallel_loop3A_19 = arith.constant 16 : i32
      %parallel_loop3A_20 = arith.muli %parallel_loop3A_18, %parallel_loop3A_19 : i32
      %parallel_loop3A_21 = arith.index_cast %parallel_loop3A_20 : i32 to index
      %parallel_loop3A_22 = tpu.vector_load %arg5[%parallel_loop3A_21] {strides = array<i32>} : memref<10000xi32, #tpu.memory_space<vmem>>, vector<16xi32>,
      %parallel_loop3A_23 = arith.index_cast %parallel_loop3A_20 : i32 to index
      %parallel_loop3A_24 = tpu.vector_load %arg6[%parallel_loop3A_23] {strides = array<i32>} : memref<10000xi32, #tpu.memory_space<vmem>>, vector<16xi32>,
      %parallel_loop3A_25 = arith.constant 7 : i32
      %parallel_loop3A_26 = vector.broadcast %parallel_loop3A_25 : i32 to vector<16xi32>
      %parallel_loop3A_27 = arith.shrsi %parallel_loop3A_22, %parallel_loop3A_26 : vector<16xi32>
      %parallel_loop3A_28 = vector.broadcast %parallel_loop3A_13 : i32 to vector<16xi32>
      %parallel_loop3A_29 = arith.andi %parallel_loop3A_22, %parallel_loop3A_28 : vector<16xi32>
      %parallel_loop3A_30 = tpu.vector_load_idx %arg7[%parallel_loop3A_27, %parallel_loop3A_29] : memref<80x128xi32, #tpu.memory_space<vmem>>[vector<16xi32>, vector<16xi32>], vector<16xi32>,
      %parallel_loop3A_31 = arith.andi %parallel_loop3A_30, %broadcast_in_dim3A_9 : vector<16xi32>
      %parallel_loop3A_32 = vector.bitcast %parallel_loop3A_31 : vector<16xi32> to vector<16xf32>
      %parallel_loop3A_33 = vector.broadcast %parallel_loop3A_14 : i32 to vector<16xi32>
      %parallel_loop3A_34 = arith.shli %parallel_loop3A_30, %parallel_loop3A_33 : vector<16xi32>
      %parallel_loop3A_35 = vector.bitcast %parallel_loop3A_34 : vector<16xi32> to vector<16xf32>
      %parallel_loop3A_36 = arith.constant 7 : i32
      %parallel_loop3A_37 = vector.broadcast %parallel_loop3A_36 : i32 to vector<16xi32>
      %parallel_loop3A_38 = arith.shrsi %parallel_loop3A_24, %parallel_loop3A_37 : vector<16xi32>
      %parallel_loop3A_39 = vector.broadcast %parallel_loop3A_13 : i32 to vector<16xi32>
      %parallel_loop3A_40 = arith.andi %parallel_loop3A_24, %parallel_loop3A_39 : vector<16xi32>
      tpu.vector_store_idx %arg8[%parallel_loop3A_38, %parallel_loop3A_40], %parallel_loop3A_32 {add = true} : memref<160x128xf32, #tpu.memory_space<vmem>>[vector<16xi32>, vector<16xi32>], vector<16xf32>,
      %parallel_loop3A_41 = vector.broadcast %parallel_loop3A_15 : i32 to vector<16xi32>
      %parallel_loop3A_42 = arith.addi %parallel_loop3A_38, %parallel_loop3A_41 : vector<16xi32>
      tpu.vector_store_idx %arg8[%parallel_loop3A_42, %parallel_loop3A_40], %parallel_loop3A_35 {add = true} : memref<160x128xf32, #tpu.memory_space<vmem>>[vector<16xi32>, vector<16xi32>], vector<16xf32>,
    } {sc.loop_unroll_factor = 10 : i64, sc.parallel_access}
    %mul3A_16 = arith.constant 160 : i32
    %mul3A_17 = arith.muli %add3A, %mul3A_16 : i32
    "tpu.region"() ({
      %run_scoped3A = tpu.sem_alloc : memref<!tpu.dma_semaphore, #tpu.memory_space<semaphore_mem>>
      %dma_start3A = arith.constant 0 : i32
      %dma_start3A_18 = tpu.memref_slice %arg4[%mul3A_17, %dma_start3A] : memref<5120x128xf32, #tpu.memory_space<hbm>> -> memref<160x128xf32, #tpu.memory_space<hbm>>
      %dma_start3A_19 = arith.constant 0 : i32
      %dma_start3A_20 = tpu.memref_slice %arg4[%mul3A_17, %dma_start3A_19] : memref<5120x128xf32, #tpu.memory_space<hbm>> -> memref<160x128xf32, #tpu.memory_space<hbm>>
      tpu.enqueue_dma source(%arg8 : memref<160x128xf32, #tpu.memory_space<vmem>>) target(%dma_start3A_20 : memref<160x128xf32, #tpu.memory_space<hbm>>) target_semaphore(%run_scoped3A : memref<!tpu.dma_semaphore, #tpu.memory_space<semaphore_mem>>)
      %dma_wait3A = arith.constant 0 : i32
      %dma_wait3A_21 = tpu.memref_slice %arg4[%mul3A_17, %dma_wait3A] : memref<5120x128xf32, #tpu.memory_space<hbm>> -> memref<160x128xf32, #tpu.memory_space<hbm>>
      %dma_wait3A_22 = arith.constant 0 : i32
      %dma_wait3A_23 = tpu.memref_slice %arg4[%mul3A_17, %dma_wait3A_22] : memref<5120x128xf32, #tpu.memory_space<hbm>> -> memref<160x128xf32, #tpu.memory_space<hbm>>
      tpu.wait_dma2 semaphore(%run_scoped3A : memref<!tpu.dma_semaphore, #tpu.memory_space<semaphore_mem>>) src(%arg8 : memref<160x128xf32, #tpu.memory_space<vmem>>) dst(%dma_wait3A_23 : memref<160x128xf32, #tpu.memory_space<hbm>>)
      tpu.yield
    }) : () -> ()
    return
  }
}

module attributes {stable_mosaic.version = 14 : i64} {
  func.func @_mm(%arg0: memref<10000x128xf32, #tpu.memory_space<vmem>>, %arg1: memref<128x128xf32, #tpu.memory_space<vmem>>, %arg2: memref<128x1xf32, #tpu.memory_space<vmem>>, %arg3: memref<128x128xf32, #tpu.memory_space<vmem>>, %arg4: memref<128x1xf32, #tpu.memory_space<vmem>>, %arg5: memref<10240x1xi32, #tpu.memory_space<vmem>>) attributes {dimension_semantics = [], scalar_prefetch = 0 : i64, scratch_operands = 0 : i64, tpu.core_type = #tpu.core_type<tc>} {
    %get3A = arith.constant 0 : index
    %get3A_0 = arith.constant 0 : index
    %get3A_1 = vector.load %arg1[%get3A, %get3A_0] : memref<128x128xf32, #tpu.memory_space<vmem>>, vector<128x128xf32>
    %get3A_2 = arith.constant 0 : index
    %get3A_3 = arith.constant 0 : index
    %get3A_4 = vector.load %arg2[%get3A_2, %get3A_3] : memref<128x1xf32, #tpu.memory_space<vmem>>, vector<128x1xf32>
    %dot_general3A = arith.constant dense<0.000000e+00> : vector<128x1xf32>
    %dot_general3A_5 = tpu.matmul %get3A_1, %get3A_4, %dot_general3A {dimension_numbers = #tpu.dot_dimension_numbers<[1], [0], [0], [1], [0, 0, 1, 1], [], []>, precision = #tpu.contract_precision<fp32>, transpose_lhs_hint = false} : vector<128x128xf32>, vector<128x1xf32>, vector<128x1xf32> -> vector<128x1xf32>
    %get3A_6 = arith.constant 0 : index
    %get3A_7 = arith.constant 0 : index
    %get3A_8 = vector.load %arg3[%get3A_6, %get3A_7] : memref<128x128xf32, #tpu.memory_space<vmem>>, vector<128x128xf32>
    %get3A_9 = arith.constant 0 : index
    %get3A_10 = arith.constant 0 : index
    %get3A_11 = vector.load %arg4[%get3A_9, %get3A_10] : memref<128x1xf32, #tpu.memory_space<vmem>>, vector<128x1xf32>
    %dot_general3A_12 = arith.constant dense<0.000000e+00> : vector<128x1xf32>
    %dot_general3A_13 = tpu.matmul %get3A_8, %get3A_11, %dot_general3A_12 {dimension_numbers = #tpu.dot_dimension_numbers<[1], [0], [0], [1], [0, 0, 1, 1], [], []>, precision = #tpu.contract_precision<fp32>, transpose_lhs_hint = false} : vector<128x128xf32>, vector<128x1xf32>, vector<128x1xf32> -> vector<128x1xf32>
    %concatenate3A = tpu.concatenate %dot_general3A_5, %dot_general3A_13 in 1 : vector<128x1xf32>, vector<128x1xf32> -> vector<128x2xf32>
    %get3A_14 = arith.constant 0 : index
    %get3A_15 = arith.constant 0 : index
    %get3A_16 = vector.load %arg0[%get3A_14, %get3A_15] : memref<10000x128xf32, #tpu.memory_space<vmem>>, vector<10000x128xf32>
    %dot_general3A_17 = arith.constant dense<0.000000e+00> : vector<10000x2xf32>
    %dot_general3A_18 = tpu.matmul %get3A_16, %concatenate3A, %dot_general3A_17 {dimension_numbers = #tpu.dot_dimension_numbers<[1], [0], [0], [1], [0, 0, 1, 1], [], []>, transpose_lhs_hint = false} : vector<10000x128xf32>, vector<128x2xf32>, vector<10000x2xf32> -> vector<10000x2xf32>
    %slice3A = vector.extract_strided_slice %dot_general3A_18 {offsets = [0, 0], sizes = [10000, 1], strides = [1, 1]} : vector<10000x2xf32> to vector<10000x1xf32>
    %bitcast_convert_type3A = tpu.bitcast %slice3A : vector<10000x1xf32> -> vector<10000x1xi32>
    %shift_right_logical3A = arith.constant 16 : i32
    %shift_right_logical3A_19 = vector.broadcast %shift_right_logical3A : i32 to vector<10000x1xi32>
    %shift_right_logical3A_20 = arith.shrui %bitcast_convert_type3A, %shift_right_logical3A_19 : vector<10000x1xi32>
    %and3A = arith.constant 1 : i32
    %and3A_21 = vector.broadcast %and3A : i32 to vector<10000x1xi32>
    %and3A_22 = arith.andi %shift_right_logical3A_20, %and3A_21 : vector<10000x1xi32>
    %add3A = arith.constant 32767 : i32
    %add3A_23 = vector.broadcast %add3A : i32 to vector<10000x1xi32>
    %add3A_24 = arith.addi %bitcast_convert_type3A, %add3A_23 : vector<10000x1xi32>
    %add3A_25 = arith.addi %add3A_24, %and3A_22 : vector<10000x1xi32>
    %shift_right_logical3A_26 = arith.constant 16 : i32
    %shift_right_logical3A_27 = vector.broadcast %shift_right_logical3A_26 : i32 to vector<10000x1xi32>
    %shift_right_logical3A_28 = arith.shrui %add3A_25, %shift_right_logical3A_27 : vector<10000x1xi32>
    %slice3A_29 = vector.extract_strided_slice %dot_general3A_18 {offsets = [0, 1], sizes = [10000, 1], strides = [1, 1]} : vector<10000x2xf32> to vector<10000x1xf32>
    %bitcast_convert_type3A_30 = tpu.bitcast %slice3A_29 : vector<10000x1xf32> -> vector<10000x1xi32>
    %shift_right_logical3A_31 = arith.constant 16 : i32
    %shift_right_logical3A_32 = vector.broadcast %shift_right_logical3A_31 : i32 to vector<10000x1xi32>
    %shift_right_logical3A_33 = arith.shrui %bitcast_convert_type3A_30, %shift_right_logical3A_32 : vector<10000x1xi32>
    %and3A_34 = arith.constant 1 : i32
    %and3A_35 = vector.broadcast %and3A_34 : i32 to vector<10000x1xi32>
    %and3A_36 = arith.andi %shift_right_logical3A_33, %and3A_35 : vector<10000x1xi32>
    %add3A_37 = arith.constant 32767 : i32
    %add3A_38 = vector.broadcast %add3A_37 : i32 to vector<10000x1xi32>
    %add3A_39 = arith.addi %bitcast_convert_type3A_30, %add3A_38 : vector<10000x1xi32>
    %add3A_40 = arith.addi %add3A_39, %and3A_36 : vector<10000x1xi32>
    %shift_right_logical3A_41 = arith.constant 16 : i32
    %shift_right_logical3A_42 = vector.broadcast %shift_right_logical3A_41 : i32 to vector<10000x1xi32>
    %shift_right_logical3A_43 = arith.shrui %add3A_40, %shift_right_logical3A_42 : vector<10000x1xi32>
    %shift_left3A = arith.constant 16 : i32
    %shift_left3A_44 = vector.broadcast %shift_left3A : i32 to vector<10000x1xi32>
    %shift_left3A_45 = arith.shli %shift_right_logical3A_28, %shift_left3A_44 : vector<10000x1xi32>
    %or3A = arith.ori %shift_left3A_45, %shift_right_logical3A_43 : vector<10000x1xi32>
    %bitcast_convert_type3A_46 = tpu.bitcast %or3A : vector<10000x1xi32> -> vector<10000x1xi32>
    %broadcast_in_dim3A = arith.constant 0 : i32
    %broadcast_in_dim3A_47 = vector.broadcast %broadcast_in_dim3A : i32 to vector<240x1xi32>
    %concatenate3A_48 = tpu.concatenate %bitcast_convert_type3A_46, %broadcast_in_dim3A_47 in 0 : vector<10000x1xi32>, vector<240x1xi32> -> vector<10240x1xi32>
    %swap3A = arith.constant 0 : index
    %swap3A_49 = arith.constant 0 : index
    %swap3A_50 = vector.load %arg5[%swap3A, %swap3A_49] : memref<10240x1xi32, #tpu.memory_space<vmem>>, vector<10240x1xi32>
    tpu.vector_store %arg5[%swap3A, %swap3A_49], %concatenate3A_48 {strides = array<i32>} : memref<10240x1xi32, #tpu.memory_space<vmem>>, vector<10240x1xi32>,
    return
  }
}

module attributes {stable_mosaic.version = 14 : i64} {
  func.func @_norms(%arg0: memref<5120x128xf32, #tpu.memory_space<vmem>>, %arg1: memref<80x128xi32, #tpu.memory_space<vmem>>, %arg2: memref<80x128xi32, #tpu.memory_space<vmem>>, %arg3: memref<80x128xf32, #tpu.memory_space<vmem>>) attributes {dimension_semantics = [], scalar_prefetch = 0 : i64, scratch_operands = 0 : i64, tpu.core_type = #tpu.core_type<tc>} {
    %get3A = arith.constant 0 : index
    %get3A_0 = arith.constant 0 : index
    %get3A_1 = vector.load %arg0[%get3A, %get3A_0] : memref<5120x128xf32, #tpu.memory_space<vmem>>, vector<160x128xf32>
    %get3A_2 = arith.constant 160 : index
    %get3A_3 = arith.constant 0 : index
    %get3A_4 = vector.load %arg0[%get3A_2, %get3A_3] : memref<5120x128xf32, #tpu.memory_space<vmem>>, vector<160x128xf32>
    %add3A = arith.addf %get3A_1, %get3A_4 : vector<160x128xf32>
    %get3A_5 = arith.constant 320 : index
    %get3A_6 = arith.constant 0 : index
    %get3A_7 = vector.load %arg0[%get3A_5, %get3A_6] : memref<5120x128xf32, #tpu.memory_space<vmem>>, vector<160x128xf32>
    %add3A_8 = arith.addf %add3A, %get3A_7 : vector<160x128xf32>
    %get3A_9 = arith.constant 480 : index
    %get3A_10 = arith.constant 0 : index
    %get3A_11 = vector.load %arg0[%get3A_9, %get3A_10] : memref<5120x128xf32, #tpu.memory_space<vmem>>, vector<160x128xf32>
    %add3A_12 = arith.addf %add3A_8, %get3A_11 : vector<160x128xf32>
    %get3A_13 = arith.constant 640 : index
    %get3A_14 = arith.constant 0 : index
    %get3A_15 = vector.load %arg0[%get3A_13, %get3A_14] : memref<5120x128xf32, #tpu.memory_space<vmem>>, vector<160x128xf32>
    %add3A_16 = arith.addf %add3A_12, %get3A_15 : vector<160x128xf32>
    %get3A_17 = arith.constant 800 : index
    %get3A_18 = arith.constant 0 : index
    %get3A_19 = vector.load %arg0[%get3A_17, %get3A_18] : memref<5120x128xf32, #tpu.memory_space<vmem>>, vector<160x128xf32>
    %add3A_20 = arith.addf %add3A_16, %get3A_19 : vector<160x128xf32>
    %get3A_21 = arith.constant 960 : index
    %get3A_22 = arith.constant 0 : index
    %get3A_23 = vector.load %arg0[%get3A_21, %get3A_22] : memref<5120x128xf32, #tpu.memory_space<vmem>>, vector<160x128xf32>
    %add3A_24 = arith.addf %add3A_20, %get3A_23 : vector<160x128xf32>
    %get3A_25 = arith.constant 1120 : index
    %get3A_26 = arith.constant 0 : index
    %get3A_27 = vector.load %arg0[%get3A_25, %get3A_26] : memref<5120x128xf32, #tpu.memory_space<vmem>>, vector<160x128xf32>
    %add3A_28 = arith.addf %add3A_24, %get3A_27 : vector<160x128xf32>
    %get3A_29 = arith.constant 1280 : index
    %get3A_30 = arith.constant 0 : index
    %get3A_31 = vector.load %arg0[%get3A_29, %get3A_30] : memref<5120x128xf32, #tpu.memory_space<vmem>>, vector<160x128xf32>
    %add3A_32 = arith.addf %add3A_28, %get3A_31 : vector<160x128xf32>
    %get3A_33 = arith.constant 1440 : index
    %get3A_34 = arith.constant 0 : index
    %get3A_35 = vector.load %arg0[%get3A_33, %get3A_34] : memref<5120x128xf32, #tpu.memory_space<vmem>>, vector<160x128xf32>
    %add3A_36 = arith.addf %add3A_32, %get3A_35 : vector<160x128xf32>
    %get3A_37 = arith.constant 1600 : index
    %get3A_38 = arith.constant 0 : index
    %get3A_39 = vector.load %arg0[%get3A_37, %get3A_38] : memref<5120x128xf32, #tpu.memory_space<vmem>>, vector<160x128xf32>
    %add3A_40 = arith.addf %add3A_36, %get3A_39 : vector<160x128xf32>
    %get3A_41 = arith.constant 1760 : index
    %get3A_42 = arith.constant 0 : index
    %get3A_43 = vector.load %arg0[%get3A_41, %get3A_42] : memref<5120x128xf32, #tpu.memory_space<vmem>>, vector<160x128xf32>
    %add3A_44 = arith.addf %add3A_40, %get3A_43 : vector<160x128xf32>
    %get3A_45 = arith.constant 1920 : index
    %get3A_46 = arith.constant 0 : index
    %get3A_47 = vector.load %arg0[%get3A_45, %get3A_46] : memref<5120x128xf32, #tpu.memory_space<vmem>>, vector<160x128xf32>
    %add3A_48 = arith.addf %add3A_44, %get3A_47 : vector<160x128xf32>
    %get3A_49 = arith.constant 2080 : index
    %get3A_50 = arith.constant 0 : index
    %get3A_51 = vector.load %arg0[%get3A_49, %get3A_50] : memref<5120x128xf32, #tpu.memory_space<vmem>>, vector<160x128xf32>
    %add3A_52 = arith.addf %add3A_48, %get3A_51 : vector<160x128xf32>
    %get3A_53 = arith.constant 2240 : index
    %get3A_54 = arith.constant 0 : index
    %get3A_55 = vector.load %arg0[%get3A_53, %get3A_54] : memref<5120x128xf32, #tpu.memory_space<vmem>>, vector<160x128xf32>
    %add3A_56 = arith.addf %add3A_52, %get3A_55 : vector<160x128xf32>
    %get3A_57 = arith.constant 2400 : index
    %get3A_58 = arith.constant 0 : index
    %get3A_59 = vector.load %arg0[%get3A_57, %get3A_58] : memref<5120x128xf32, #tpu.memory_space<vmem>>, vector<160x128xf32>
    %add3A_60 = arith.addf %add3A_56, %get3A_59 : vector<160x128xf32>
    %get3A_61 = arith.constant 2560 : index
    %get3A_62 = arith.constant 0 : index
    %get3A_63 = vector.load %arg0[%get3A_61, %get3A_62] : memref<5120x128xf32, #tpu.memory_space<vmem>>, vector<160x128xf32>
    %add3A_64 = arith.addf %add3A_60, %get3A_63 : vector<160x128xf32>
    %get3A_65 = arith.constant 2720 : index
    %get3A_66 = arith.constant 0 : index
    %get3A_67 = vector.load %arg0[%get3A_65, %get3A_66] : memref<5120x128xf32, #tpu.memory_space<vmem>>, vector<160x128xf32>
    %add3A_68 = arith.addf %add3A_64, %get3A_67 : vector<160x128xf32>
    %get3A_69 = arith.constant 2880 : index
    %get3A_70 = arith.constant 0 : index
    %get3A_71 = vector.load %arg0[%get3A_69, %get3A_70] : memref<5120x128xf32, #tpu.memory_space<vmem>>, vector<160x128xf32>
    %add3A_72 = arith.addf %add3A_68, %get3A_71 : vector<160x128xf32>
    %get3A_73 = arith.constant 3040 : index
    %get3A_74 = arith.constant 0 : index
    %get3A_75 = vector.load %arg0[%get3A_73, %get3A_74] : memref<5120x128xf32, #tpu.memory_space<vmem>>, vector<160x128xf32>
    %add3A_76 = arith.addf %add3A_72, %get3A_75 : vector<160x128xf32>
    %get3A_77 = arith.constant 3200 : index
    %get3A_78 = arith.constant 0 : index
    %get3A_79 = vector.load %arg0[%get3A_77, %get3A_78] : memref<5120x128xf32, #tpu.memory_space<vmem>>, vector<160x128xf32>
    %add3A_80 = arith.addf %add3A_76, %get3A_79 : vector<160x128xf32>
    %get3A_81 = arith.constant 3360 : index
    %get3A_82 = arith.constant 0 : index
    %get3A_83 = vector.load %arg0[%get3A_81, %get3A_82] : memref<5120x128xf32, #tpu.memory_space<vmem>>, vector<160x128xf32>
    %add3A_84 = arith.addf %add3A_80, %get3A_83 : vector<160x128xf32>
    %get3A_85 = arith.constant 3520 : index
    %get3A_86 = arith.constant 0 : index
    %get3A_87 = vector.load %arg0[%get3A_85, %get3A_86] : memref<5120x128xf32, #tpu.memory_space<vmem>>, vector<160x128xf32>
    %add3A_88 = arith.addf %add3A_84, %get3A_87 : vector<160x128xf32>
    %get3A_89 = arith.constant 3680 : index
    %get3A_90 = arith.constant 0 : index
    %get3A_91 = vector.load %arg0[%get3A_89, %get3A_90] : memref<5120x128xf32, #tpu.memory_space<vmem>>, vector<160x128xf32>
    %add3A_92 = arith.addf %add3A_88, %get3A_91 : vector<160x128xf32>
    %get3A_93 = arith.constant 3840 : index
    %get3A_94 = arith.constant 0 : index
    %get3A_95 = vector.load %arg0[%get3A_93, %get3A_94] : memref<5120x128xf32, #tpu.memory_space<vmem>>, vector<160x128xf32>
    %add3A_96 = arith.addf %add3A_92, %get3A_95 : vector<160x128xf32>
    %get3A_97 = arith.constant 4000 : index
    %get3A_98 = arith.constant 0 : index
    %get3A_99 = vector.load %arg0[%get3A_97, %get3A_98] : memref<5120x128xf32, #tpu.memory_space<vmem>>, vector<160x128xf32>
    %add3A_100 = arith.addf %add3A_96, %get3A_99 : vector<160x128xf32>
    %get3A_101 = arith.constant 4160 : index
    %get3A_102 = arith.constant 0 : index
    %get3A_103 = vector.load %arg0[%get3A_101, %get3A_102] : memref<5120x128xf32, #tpu.memory_space<vmem>>, vector<160x128xf32>
    %add3A_104 = arith.addf %add3A_100, %get3A_103 : vector<160x128xf32>
    %get3A_105 = arith.constant 4320 : index
    %get3A_106 = arith.constant 0 : index
    %get3A_107 = vector.load %arg0[%get3A_105, %get3A_106] : memref<5120x128xf32, #tpu.memory_space<vmem>>, vector<160x128xf32>
    %add3A_108 = arith.addf %add3A_104, %get3A_107 : vector<160x128xf32>
    %get3A_109 = arith.constant 4480 : index
    %get3A_110 = arith.constant 0 : index
    %get3A_111 = vector.load %arg0[%get3A_109, %get3A_110] : memref<5120x128xf32, #tpu.memory_space<vmem>>, vector<160x128xf32>
    %add3A_112 = arith.addf %add3A_108, %get3A_111 : vector<160x128xf32>
    %get3A_113 = arith.constant 4640 : index
    %get3A_114 = arith.constant 0 : index
    %get3A_115 = vector.load %arg0[%get3A_113, %get3A_114] : memref<5120x128xf32, #tpu.memory_space<vmem>>, vector<160x128xf32>
    %add3A_116 = arith.addf %add3A_112, %get3A_115 : vector<160x128xf32>
    %get3A_117 = arith.constant 4800 : index
    %get3A_118 = arith.constant 0 : index
    %get3A_119 = vector.load %arg0[%get3A_117, %get3A_118] : memref<5120x128xf32, #tpu.memory_space<vmem>>, vector<160x128xf32>
    %add3A_120 = arith.addf %add3A_116, %get3A_119 : vector<160x128xf32>
    %get3A_121 = arith.constant 4960 : index
    %get3A_122 = arith.constant 0 : index
    %get3A_123 = vector.load %arg0[%get3A_121, %get3A_122] : memref<5120x128xf32, #tpu.memory_space<vmem>>, vector<160x128xf32>
    %add3A_124 = arith.addf %add3A_120, %get3A_123 : vector<160x128xf32>
    %gt3A = arith.constant 0.000000e+00 : f32
    %gt3A_125 = vector.broadcast %gt3A : f32 to vector<160x128xf32>
    %gt3A_126 = arith.cmpf ogt, %add3A_124, %gt3A_125 : vector<160x128xf32>
    %max3A = arith.constant 1.000000e+00 : f32
    %max3A_127 = vector.broadcast %max3A : f32 to vector<160x128xf32>
    %max3A_128 = arith.maximumf %add3A_124, %max3A_127 : vector<160x128xf32>
    %sqrt3A = math.sqrt %max3A_128 : vector<160x128xf32>
    %div3A = arith.constant 1.000000e+00 : f32
    %div3A_129 = vector.broadcast %div3A : f32 to vector<160x128xf32>
    %div3A_130 = arith.divf %div3A_129, %sqrt3A : vector<160x128xf32>
    %jit3A = arith.constant 0.000000e+00 : f32
    %broadcast_in_dim3A = vector.broadcast %jit3A : f32 to vector<160x128xf32>
    %select_n3A = arith.select %gt3A_126, %div3A_130, %broadcast_in_dim3A : vector<160x128xi1>, vector<160x128xf32>
    %slice3A = vector.extract_strided_slice %select_n3A {offsets = [0, 0], sizes = [80, 128], strides = [1, 1]} : vector<160x128xf32> to vector<80x128xf32>
    %slice3A_131 = vector.extract_strided_slice %select_n3A {offsets = [80, 0], sizes = [80, 128], strides = [1, 1]} : vector<160x128xf32> to vector<80x128xf32>
    %swap3A = arith.constant 0 : index
    %swap3A_132 = arith.constant 0 : index
    %swap3A_133 = vector.load %arg3[%swap3A, %swap3A_132] : memref<80x128xf32, #tpu.memory_space<vmem>>, vector<80x128xf32>
    tpu.vector_store %arg3[%swap3A, %swap3A_132], %slice3A_131 {strides = array<i32>} : memref<80x128xf32, #tpu.memory_space<vmem>>, vector<80x128xf32>,
    %get3A_134 = arith.constant 0 : index
    %get3A_135 = arith.constant 0 : index
    %get3A_136 = vector.load %arg1[%get3A_134, %get3A_135] : memref<80x128xi32, #tpu.memory_space<vmem>>, vector<80x128xi32>
    %bitcast_convert_type3A = tpu.bitcast %get3A_136 : vector<80x128xi32> -> vector<80x128xi32>
    %and3A = arith.constant -65536 : i32
    %and3A_137 = vector.broadcast %and3A : i32 to vector<80x128xi32>
    %and3A_138 = arith.andi %bitcast_convert_type3A, %and3A_137 : vector<80x128xi32>
    %bitcast_convert_type3A_139 = tpu.bitcast %and3A_138 : vector<80x128xi32> -> vector<80x128xf32>
    %mul3A = arith.mulf %bitcast_convert_type3A_139, %slice3A : vector<80x128xf32>
    %shift_left3A = arith.constant 16 : i32
    %shift_left3A_140 = vector.broadcast %shift_left3A : i32 to vector<80x128xi32>
    %shift_left3A_141 = arith.shli %bitcast_convert_type3A, %shift_left3A_140 : vector<80x128xi32>
    %bitcast_convert_type3A_142 = tpu.bitcast %shift_left3A_141 : vector<80x128xi32> -> vector<80x128xf32>
    %mul3A_143 = arith.mulf %bitcast_convert_type3A_142, %slice3A : vector<80x128xf32>
    %bitcast_convert_type3A_144 = tpu.bitcast %mul3A : vector<80x128xf32> -> vector<80x128xi32>
    %shift_right_logical3A = arith.constant 16 : i32
    %shift_right_logical3A_145 = vector.broadcast %shift_right_logical3A : i32 to vector<80x128xi32>
    %shift_right_logical3A_146 = arith.shrui %bitcast_convert_type3A_144, %shift_right_logical3A_145 : vector<80x128xi32>
    %and3A_147 = arith.constant 1 : i32
    %and3A_148 = vector.broadcast %and3A_147 : i32 to vector<80x128xi32>
    %and3A_149 = arith.andi %shift_right_logical3A_146, %and3A_148 : vector<80x128xi32>
    %add3A_150 = arith.constant 32767 : i32
    %add3A_151 = vector.broadcast %add3A_150 : i32 to vector<80x128xi32>
    %add3A_152 = arith.addi %bitcast_convert_type3A_144, %add3A_151 : vector<80x128xi32>
    %add3A_153 = arith.addi %add3A_152, %and3A_149 : vector<80x128xi32>
    %shift_right_logical3A_154 = arith.constant 16 : i32
    %shift_right_logical3A_155 = vector.broadcast %shift_right_logical3A_154 : i32 to vector<80x128xi32>
    %shift_right_logical3A_156 = arith.shrui %add3A_153, %shift_right_logical3A_155 : vector<80x128xi32>
    %bitcast_convert_type3A_157 = tpu.bitcast %mul3A_143 : vector<80x128xf32> -> vector<80x128xi32>
    %shift_right_logical3A_158 = arith.constant 16 : i32
    %shift_right_logical3A_159 = vector.broadcast %shift_right_logical3A_158 : i32 to vector<80x128xi32>
    %shift_right_logical3A_160 = arith.shrui %bitcast_convert_type3A_157, %shift_right_logical3A_159 : vector<80x128xi32>
    %and3A_161 = arith.constant 1 : i32
    %and3A_162 = vector.broadcast %and3A_161 : i32 to vector<80x128xi32>
    %and3A_163 = arith.andi %shift_right_logical3A_160, %and3A_162 : vector<80x128xi32>
    %add3A_164 = arith.constant 32767 : i32
    %add3A_165 = vector.broadcast %add3A_164 : i32 to vector<80x128xi32>
    %add3A_166 = arith.addi %bitcast_convert_type3A_157, %add3A_165 : vector<80x128xi32>
    %add3A_167 = arith.addi %add3A_166, %and3A_163 : vector<80x128xi32>
    %shift_right_logical3A_168 = arith.constant 16 : i32
    %shift_right_logical3A_169 = vector.broadcast %shift_right_logical3A_168 : i32 to vector<80x128xi32>
    %shift_right_logical3A_170 = arith.shrui %add3A_167, %shift_right_logical3A_169 : vector<80x128xi32>
    %shift_left3A_171 = arith.constant 16 : i32
    %shift_left3A_172 = vector.broadcast %shift_left3A_171 : i32 to vector<80x128xi32>
    %shift_left3A_173 = arith.shli %shift_right_logical3A_156, %shift_left3A_172 : vector<80x128xi32>
    %or3A = arith.ori %shift_left3A_173, %shift_right_logical3A_170 : vector<80x128xi32>
    %bitcast_convert_type3A_174 = tpu.bitcast %or3A : vector<80x128xi32> -> vector<80x128xi32>
    %swap3A_175 = arith.constant 0 : index
    %swap3A_176 = arith.constant 0 : index
    %swap3A_177 = vector.load %arg2[%swap3A_175, %swap3A_176] : memref<80x128xi32, #tpu.memory_space<vmem>>, vector<80x128xi32>
    tpu.vector_store %arg2[%swap3A_175, %swap3A_176], %bitcast_convert_type3A_174 {strides = array<i32>} : memref<80x128xi32, #tpu.memory_space<vmem>>, vector<80x128xi32>,
    return
  }
}

module attributes {stable_mosaic.version = 14 : i64} {
  func.func @_finish(%arg0: memref<5120x128xf32, #tpu.memory_space<vmem>>, %arg1: memref<80x128xf32, #tpu.memory_space<vmem>>, %arg2: memref<1x128xf32, #tpu.memory_space<vmem>>, %arg3: memref<128x1xf32, #tpu.memory_space<vmem>>, %arg4: memref<1x1xf32, #tpu.memory_space<vmem>>, %arg5: memref<1x128xf32, #tpu.memory_space<vmem>>, %arg6: memref<128x1xf32, #tpu.memory_space<vmem>>, %arg7: memref<1x1xf32, #tpu.memory_space<vmem>>, %arg8: memref<160x128xf32, #tpu.memory_space<vmem>>) attributes {dimension_semantics = [], scalar_prefetch = 0 : i64, scratch_operands = 0 : i64, tpu.core_type = #tpu.core_type<tc>} {
    %get3A = arith.constant 0 : index
    %get3A_0 = arith.constant 0 : index
    %get3A_1 = vector.load %arg0[%get3A, %get3A_0] : memref<5120x128xf32, #tpu.memory_space<vmem>>, vector<160x128xf32>
    %get3A_2 = arith.constant 160 : index
    %get3A_3 = arith.constant 0 : index
    %get3A_4 = vector.load %arg0[%get3A_2, %get3A_3] : memref<5120x128xf32, #tpu.memory_space<vmem>>, vector<160x128xf32>
    %add3A = arith.addf %get3A_1, %get3A_4 : vector<160x128xf32>
    %get3A_5 = arith.constant 320 : index
    %get3A_6 = arith.constant 0 : index
    %get3A_7 = vector.load %arg0[%get3A_5, %get3A_6] : memref<5120x128xf32, #tpu.memory_space<vmem>>, vector<160x128xf32>
    %add3A_8 = arith.addf %add3A, %get3A_7 : vector<160x128xf32>
    %get3A_9 = arith.constant 480 : index
    %get3A_10 = arith.constant 0 : index
    %get3A_11 = vector.load %arg0[%get3A_9, %get3A_10] : memref<5120x128xf32, #tpu.memory_space<vmem>>, vector<160x128xf32>
    %add3A_12 = arith.addf %add3A_8, %get3A_11 : vector<160x128xf32>
    %get3A_13 = arith.constant 640 : index
    %get3A_14 = arith.constant 0 : index
    %get3A_15 = vector.load %arg0[%get3A_13, %get3A_14] : memref<5120x128xf32, #tpu.memory_space<vmem>>, vector<160x128xf32>
    %add3A_16 = arith.addf %add3A_12, %get3A_15 : vector<160x128xf32>
    %get3A_17 = arith.constant 800 : index
    %get3A_18 = arith.constant 0 : index
    %get3A_19 = vector.load %arg0[%get3A_17, %get3A_18] : memref<5120x128xf32, #tpu.memory_space<vmem>>, vector<160x128xf32>
    %add3A_20 = arith.addf %add3A_16, %get3A_19 : vector<160x128xf32>
    %get3A_21 = arith.constant 960 : index
    %get3A_22 = arith.constant 0 : index
    %get3A_23 = vector.load %arg0[%get3A_21, %get3A_22] : memref<5120x128xf32, #tpu.memory_space<vmem>>, vector<160x128xf32>
    %add3A_24 = arith.addf %add3A_20, %get3A_23 : vector<160x128xf32>
    %get3A_25 = arith.constant 1120 : index
    %get3A_26 = arith.constant 0 : index
    %get3A_27 = vector.load %arg0[%get3A_25, %get3A_26] : memref<5120x128xf32, #tpu.memory_space<vmem>>, vector<160x128xf32>
    %add3A_28 = arith.addf %add3A_24, %get3A_27 : vector<160x128xf32>
    %get3A_29 = arith.constant 1280 : index
    %get3A_30 = arith.constant 0 : index
    %get3A_31 = vector.load %arg0[%get3A_29, %get3A_30] : memref<5120x128xf32, #tpu.memory_space<vmem>>, vector<160x128xf32>
    %add3A_32 = arith.addf %add3A_28, %get3A_31 : vector<160x128xf32>
    %get3A_33 = arith.constant 1440 : index
    %get3A_34 = arith.constant 0 : index
    %get3A_35 = vector.load %arg0[%get3A_33, %get3A_34] : memref<5120x128xf32, #tpu.memory_space<vmem>>, vector<160x128xf32>
    %add3A_36 = arith.addf %add3A_32, %get3A_35 : vector<160x128xf32>
    %get3A_37 = arith.constant 1600 : index
    %get3A_38 = arith.constant 0 : index
    %get3A_39 = vector.load %arg0[%get3A_37, %get3A_38] : memref<5120x128xf32, #tpu.memory_space<vmem>>, vector<160x128xf32>
    %add3A_40 = arith.addf %add3A_36, %get3A_39 : vector<160x128xf32>
    %get3A_41 = arith.constant 1760 : index
    %get3A_42 = arith.constant 0 : index
    %get3A_43 = vector.load %arg0[%get3A_41, %get3A_42] : memref<5120x128xf32, #tpu.memory_space<vmem>>, vector<160x128xf32>
    %add3A_44 = arith.addf %add3A_40, %get3A_43 : vector<160x128xf32>
    %get3A_45 = arith.constant 1920 : index
    %get3A_46 = arith.constant 0 : index
    %get3A_47 = vector.load %arg0[%get3A_45, %get3A_46] : memref<5120x128xf32, #tpu.memory_space<vmem>>, vector<160x128xf32>
    %add3A_48 = arith.addf %add3A_44, %get3A_47 : vector<160x128xf32>
    %get3A_49 = arith.constant 2080 : index
    %get3A_50 = arith.constant 0 : index
    %get3A_51 = vector.load %arg0[%get3A_49, %get3A_50] : memref<5120x128xf32, #tpu.memory_space<vmem>>, vector<160x128xf32>
    %add3A_52 = arith.addf %add3A_48, %get3A_51 : vector<160x128xf32>
    %get3A_53 = arith.constant 2240 : index
    %get3A_54 = arith.constant 0 : index
    %get3A_55 = vector.load %arg0[%get3A_53, %get3A_54] : memref<5120x128xf32, #tpu.memory_space<vmem>>, vector<160x128xf32>
    %add3A_56 = arith.addf %add3A_52, %get3A_55 : vector<160x128xf32>
    %get3A_57 = arith.constant 2400 : index
    %get3A_58 = arith.constant 0 : index
    %get3A_59 = vector.load %arg0[%get3A_57, %get3A_58] : memref<5120x128xf32, #tpu.memory_space<vmem>>, vector<160x128xf32>
    %add3A_60 = arith.addf %add3A_56, %get3A_59 : vector<160x128xf32>
    %get3A_61 = arith.constant 2560 : index
    %get3A_62 = arith.constant 0 : index
    %get3A_63 = vector.load %arg0[%get3A_61, %get3A_62] : memref<5120x128xf32, #tpu.memory_space<vmem>>, vector<160x128xf32>
    %add3A_64 = arith.addf %add3A_60, %get3A_63 : vector<160x128xf32>
    %get3A_65 = arith.constant 2720 : index
    %get3A_66 = arith.constant 0 : index
    %get3A_67 = vector.load %arg0[%get3A_65, %get3A_66] : memref<5120x128xf32, #tpu.memory_space<vmem>>, vector<160x128xf32>
    %add3A_68 = arith.addf %add3A_64, %get3A_67 : vector<160x128xf32>
    %get3A_69 = arith.constant 2880 : index
    %get3A_70 = arith.constant 0 : index
    %get3A_71 = vector.load %arg0[%get3A_69, %get3A_70] : memref<5120x128xf32, #tpu.memory_space<vmem>>, vector<160x128xf32>
    %add3A_72 = arith.addf %add3A_68, %get3A_71 : vector<160x128xf32>
    %get3A_73 = arith.constant 3040 : index
    %get3A_74 = arith.constant 0 : index
    %get3A_75 = vector.load %arg0[%get3A_73, %get3A_74] : memref<5120x128xf32, #tpu.memory_space<vmem>>, vector<160x128xf32>
    %add3A_76 = arith.addf %add3A_72, %get3A_75 : vector<160x128xf32>
    %get3A_77 = arith.constant 3200 : index
    %get3A_78 = arith.constant 0 : index
    %get3A_79 = vector.load %arg0[%get3A_77, %get3A_78] : memref<5120x128xf32, #tpu.memory_space<vmem>>, vector<160x128xf32>
    %add3A_80 = arith.addf %add3A_76, %get3A_79 : vector<160x128xf32>
    %get3A_81 = arith.constant 3360 : index
    %get3A_82 = arith.constant 0 : index
    %get3A_83 = vector.load %arg0[%get3A_81, %get3A_82] : memref<5120x128xf32, #tpu.memory_space<vmem>>, vector<160x128xf32>
    %add3A_84 = arith.addf %add3A_80, %get3A_83 : vector<160x128xf32>
    %get3A_85 = arith.constant 3520 : index
    %get3A_86 = arith.constant 0 : index
    %get3A_87 = vector.load %arg0[%get3A_85, %get3A_86] : memref<5120x128xf32, #tpu.memory_space<vmem>>, vector<160x128xf32>
    %add3A_88 = arith.addf %add3A_84, %get3A_87 : vector<160x128xf32>
    %get3A_89 = arith.constant 3680 : index
    %get3A_90 = arith.constant 0 : index
    %get3A_91 = vector.load %arg0[%get3A_89, %get3A_90] : memref<5120x128xf32, #tpu.memory_space<vmem>>, vector<160x128xf32>
    %add3A_92 = arith.addf %add3A_88, %get3A_91 : vector<160x128xf32>
    %get3A_93 = arith.constant 3840 : index
    %get3A_94 = arith.constant 0 : index
    %get3A_95 = vector.load %arg0[%get3A_93, %get3A_94] : memref<5120x128xf32, #tpu.memory_space<vmem>>, vector<160x128xf32>
    %add3A_96 = arith.addf %add3A_92, %get3A_95 : vector<160x128xf32>
    %get3A_97 = arith.constant 4000 : index
    %get3A_98 = arith.constant 0 : index
    %get3A_99 = vector.load %arg0[%get3A_97, %get3A_98] : memref<5120x128xf32, #tpu.memory_space<vmem>>, vector<160x128xf32>
    %add3A_100 = arith.addf %add3A_96, %get3A_99 : vector<160x128xf32>
    %get3A_101 = arith.constant 4160 : index
    %get3A_102 = arith.constant 0 : index
    %get3A_103 = vector.load %arg0[%get3A_101, %get3A_102] : memref<5120x128xf32, #tpu.memory_space<vmem>>, vector<160x128xf32>
    %add3A_104 = arith.addf %add3A_100, %get3A_103 : vector<160x128xf32>
    %get3A_105 = arith.constant 4320 : index
    %get3A_106 = arith.constant 0 : index
    %get3A_107 = vector.load %arg0[%get3A_105, %get3A_106] : memref<5120x128xf32, #tpu.memory_space<vmem>>, vector<160x128xf32>
    %add3A_108 = arith.addf %add3A_104, %get3A_107 : vector<160x128xf32>
    %get3A_109 = arith.constant 4480 : index
    %get3A_110 = arith.constant 0 : index
    %get3A_111 = vector.load %arg0[%get3A_109, %get3A_110] : memref<5120x128xf32, #tpu.memory_space<vmem>>, vector<160x128xf32>
    %add3A_112 = arith.addf %add3A_108, %get3A_111 : vector<160x128xf32>
    %get3A_113 = arith.constant 4640 : index
    %get3A_114 = arith.constant 0 : index
    %get3A_115 = vector.load %arg0[%get3A_113, %get3A_114] : memref<5120x128xf32, #tpu.memory_space<vmem>>, vector<160x128xf32>
    %add3A_116 = arith.addf %add3A_112, %get3A_115 : vector<160x128xf32>
    %get3A_117 = arith.constant 4800 : index
    %get3A_118 = arith.constant 0 : index
    %get3A_119 = vector.load %arg0[%get3A_117, %get3A_118] : memref<5120x128xf32, #tpu.memory_space<vmem>>, vector<160x128xf32>
    %add3A_120 = arith.addf %add3A_116, %get3A_119 : vector<160x128xf32>
    %get3A_121 = arith.constant 4960 : index
    %get3A_122 = arith.constant 0 : index
    %get3A_123 = vector.load %arg0[%get3A_121, %get3A_122] : memref<5120x128xf32, #tpu.memory_space<vmem>>, vector<160x128xf32>
    %add3A_124 = arith.addf %add3A_120, %get3A_123 : vector<160x128xf32>
    %get3A_125 = arith.constant 0 : index
    %get3A_126 = arith.constant 0 : index
    %get3A_127 = vector.load %arg1[%get3A_125, %get3A_126] : memref<80x128xf32, #tpu.memory_space<vmem>>, vector<80x128xf32>
    %get3A_128 = arith.constant 0 : index
    %get3A_129 = arith.constant 0 : index
    %get3A_130 = vector.load %arg2[%get3A_128, %get3A_129] : memref<1x128xf32, #tpu.memory_space<vmem>>, vector<1x128xf32>
    %get3A_131 = arith.constant 0 : index
    %get3A_132 = arith.constant 0 : index
    %get3A_133 = vector.load %arg3[%get3A_131, %get3A_132] : memref<128x1xf32, #tpu.memory_space<vmem>>, vector<128x1xf32>
    %dot_general3A = arith.constant dense<0.000000e+00> : vector<1x1xf32>
    %dot_general3A_134 = tpu.matmul %get3A_130, %get3A_133, %dot_general3A {dimension_numbers = #tpu.dot_dimension_numbers<[1], [0], [0], [1], [0, 0, 1, 1], [], []>, precision = #tpu.contract_precision<fp32>, transpose_lhs_hint = false} : vector<1x128xf32>, vector<128x1xf32>, vector<1x1xf32> -> vector<1x1xf32>
    %squeeze3A = vector.extract %dot_general3A_134[0, 0] : f32 from vector<1x1xf32>
    %get3A_135 = arith.constant 0 : index
    %get3A_136 = arith.constant 0 : index
    %get3A_137 = vector.load %arg4[%get3A_135, %get3A_136] : memref<1x1xf32, #tpu.memory_space<vmem>>, vector<1x1xf32>
    %get3A_138 = vector.extract %get3A_137[0, 0] : f32 from vector<1x1xf32>
    %add3A_139 = arith.addf %squeeze3A, %get3A_138 : f32
    %get3A_140 = arith.constant 0 : index
    %get3A_141 = arith.constant 0 : index
    %get3A_142 = vector.load %arg5[%get3A_140, %get3A_141] : memref<1x128xf32, #tpu.memory_space<vmem>>, vector<1x128xf32>
    %get3A_143 = arith.constant 0 : index
    %get3A_144 = arith.constant 0 : index
    %get3A_145 = vector.load %arg6[%get3A_143, %get3A_144] : memref<128x1xf32, #tpu.memory_space<vmem>>, vector<128x1xf32>
    %dot_general3A_146 = arith.constant dense<0.000000e+00> : vector<1x1xf32>
    %dot_general3A_147 = tpu.matmul %get3A_142, %get3A_145, %dot_general3A_146 {dimension_numbers = #tpu.dot_dimension_numbers<[1], [0], [0], [1], [0, 0, 1, 1], [], []>, precision = #tpu.contract_precision<fp32>, transpose_lhs_hint = false} : vector<1x128xf32>, vector<128x1xf32>, vector<1x1xf32> -> vector<1x1xf32>
    %squeeze3A_148 = vector.extract %dot_general3A_147[0, 0] : f32 from vector<1x1xf32>
    %get3A_149 = arith.constant 0 : index
    %get3A_150 = arith.constant 0 : index
    %get3A_151 = vector.load %arg7[%get3A_149, %get3A_150] : memref<1x1xf32, #tpu.memory_space<vmem>>, vector<1x1xf32>
    %get3A_152 = vector.extract %get3A_151[0, 0] : f32 from vector<1x1xf32>
    %add3A_153 = arith.addf %squeeze3A_148, %get3A_152 : f32
    %slice3A = vector.extract_strided_slice %add3A_124 {offsets = [0, 0], sizes = [80, 128], strides = [1, 1]} : vector<160x128xf32> to vector<80x128xf32>
    %mul3A = arith.mulf %slice3A, %get3A_127 : vector<80x128xf32>
    %add3A_154 = vector.broadcast %add3A_139 : f32 to vector<80x128xf32>
    %add3A_155 = arith.addf %mul3A, %add3A_154 : vector<80x128xf32>
    %slice3A_156 = vector.extract_strided_slice %add3A_124 {offsets = [80, 0], sizes = [80, 128], strides = [1, 1]} : vector<160x128xf32> to vector<80x128xf32>
    %mul3A_157 = arith.mulf %slice3A_156, %get3A_127 : vector<80x128xf32>
    %add3A_158 = vector.broadcast %add3A_153 : f32 to vector<80x128xf32>
    %add3A_159 = arith.addf %mul3A_157, %add3A_158 : vector<80x128xf32>
    %concatenate3A = tpu.concatenate %add3A_155, %add3A_159 in 0 : vector<80x128xf32>, vector<80x128xf32> -> vector<160x128xf32>
    %swap3A = arith.constant 0 : index
    %swap3A_160 = arith.constant 0 : index
    %swap3A_161 = vector.load %arg8[%swap3A, %swap3A_160] : memref<160x128xf32, #tpu.memory_space<vmem>>, vector<160x128xf32>
    tpu.vector_store %arg8[%swap3A, %swap3A_160], %concatenate3A {strides = array<i32>} : memref<160x128xf32, #tpu.memory_space<vmem>>, vector<160x128xf32>,
    return
  }
}

</mosaic_0001>

<sc_bundles>
// kernel: kernel.10.cloned.1.call-start
scs
__scs_entry_jumppad:
0x0: {  	(pc) =	sbr.rel $0x88, $3  }
0x1: {  	(tag) =	ssettag $0x0;
	lr =	simm.s32 $0x1  }
0x2: {  	[smem:$0x3F97] =	sst lr;
	_ =	strace $0xD0000000  }
0x3: {  	_ = 	snop  }
0x4: {  	_ = 	snop  }
0x5: {  	_ = 	snop  }
0x6: {  	_ = 	snop  }
0x7: {  	_ = 	snop  }
__scs_overlays_trampoline_lowered:
0x8: {  	[smem:$0x3FA6] =	sst s0  }
0x9: {  	[smem:$0x3FA7] =	sst s1  }
0xa: {  	[smem:$0x3FA8] =	sst s2  }
0xb: {  	[smem:$0x3FA9] =	sst s3  }
0xc: {  	[smem:$0x3FAA] =	sst s4  }
0xd: {  	[smem:$0x3FAB] =	sst s5  }
0xe: {  	[smem:$0x3FAC] =	sst s6  }
0xf: {  	[smem:$0x3FAD] =	sst s7  }
0x10: {  	[smem:$0x3FAE] =	sst s8  }
0x11: {  	[smem:$0x3FAF] =	sst s9;
	s0 =	simm.s32 @!p0 $0x0  }
0x12: {  	s1 =	sld [smem:$0x3F95];
	s0 =	simm.s32 @p0 $0x1  }
0x13: {  	[smem:$0x3FB0] =	sst s0;
	s0 =	simm.s32 @!p1 $0x0  }
0x14: {  	s2 =	sld [smem:$0x3F94];
	s0 =	simm.s32 @p1 $0x1  }
0x15: {  	[smem:$0x3FB1] =	sst s0;
	s0 =	simm.s32 @!p2 $0x0  }
0x16: {  	s3 =	sld [smem:$0x3FDB];
	s0 =	simm.s32 @p2 $0x1  }
0x17: {  	s4 =	simm.s32 $0x1BF5;
	[smem:$0x3FB3] =	sst s0  }
0x18: {  	s0 =	sld [smem:$0x3F96];
	_ =	swait.ge [sflag:s4], $0x0  }
0x19: {  	s7 =	sld [smem:$0x3F97]  }
0x1a: {  	s8 =	sadd.s32 $0xFFFFE003, lr  }
0x1b: {  	s9 =	sadd.s32 $0xFFFFFEF7, lr;
	s5 =	simm.s32 $0xFFFFFFFF;
	p2 =	slt.u32 s8, $0xFFFFF086  }
0x1c: {  	p1 =	slt.u32 s9, $0xF7A;
	s5 =	simm.s32 @!p2 $0x0  }
0x1d: {  	s5 =	simm.s32 @p1 $0x1;
	p0 =	seq.s32 s7, s2  }
0x1e: {  	s7 =	smul.u32 @!p0 $0xF7A, s2;
	p2 =	seq.s32 @!p0 s5, $0x0  }
0x1f: {  	s9 =	smul.u32 $0xF7A, s1;
	s8 =	simm.s32 @!p0 $0x1BF5;
	p2 =	por !p2, p0  }
0x20: {  	[sflag:s8] =	ssyncset.s32 @!p0 $0xFFFFF086;
	s6 =	sadd.s32 @!p0 s3, s7;
	s7 =	simm.s32 @!p0 $0x108  }
0x21: {  	s3 =	sadd.s32 s3, s9;
	s6 =	sadd.s32 @!p0 $0x88, s6;
	s7 =	simm.s32 @p2 $0x1082  }
0x22: {  	[simem:s7], [sflag:s8] =	dma.local @!p0 [hbm:s6], $0xF7A  }
0x23: {  	s9 =	sor.u32 $0xD0000000, s2;
	s6 =	simm.s32 $0x108;
	_ =	swait.ge @!p0 [sflag:s8], $0x0  }
0x24: {  	s3 =	sadd.s32 $0x88, s3;
	s6 =	simm.s32 @!p1 $0x1082;
	[sflag:s4] =	ssyncset.s32 $0xFFFFF086  }
0x25: {  	[simem:s6], [sflag:s4] =	dma.local [hbm:s3], $0xF7A  }
0x26: {  	[smem:$0x3F97] =	sst s1;
	(tag) =	ssettag s2;
	_ =	strace s9  }
0x27: {  	s1 =	sld [smem:$0x3FA7]  }
0x28: {  	s2 =	sld [smem:$0x3FA8]  }
0x29: {  	s4 =	sld [smem:$0x3FAA]  }
0x2a: {  	p0 =	seq.s32 s5, $0x0;
	s5 =	sld [smem:$0x3FAB]  }
0x2b: {  	s6 =	sld [smem:$0x3FAC]  }
0x2c: {  	s7 =	sld [smem:$0x3FAD]  }
0x2d: {  	s3 =	simm.s32 $0x108;
	s8 =	sld [smem:$0x3FAE]  }
0x2e: {  	s3 =	simm.s32 @!p0 $0x1082;
	s9 =	sld [smem:$0x3FAF]  }
0x2f: {  	lr =	sadd.s32 s0, s3;
	s0 =	sld [smem:$0x3FA6]  }
0x30: {  	s3 =	sld [smem:$0x3FA9]  }
0x31: {  	[smem:$0x3FB2] =	sst s10  }
0x32: {  	s10 =	sld [smem:$0x3FB0];
	_ =	sdelay $0x3  }
0x33: {  	p0 =	seq.s32 s10, $0x1;
	s10 =	sld [smem:$0x3FB2];
	_ =	sdelay $0x3  }
0x34: {  	[smem:$0x3FB2] =	sst s10  }
0x35: {  	s10 =	sld [smem:$0x3FB1];
	_ =	sdelay $0x3  }
0x36: {  	p1 =	seq.s32 s10, $0x1;
	s10 =	sld [smem:$0x3FB2];
	_ =	sdelay $0x3  }
0x37: {  	[smem:$0x3FB2] =	sst s10  }
0x38: {  	s10 =	sld [smem:$0x3FB3]  }
0x39: {  	_ = 	snop;
	(pc) =	sbr.ind lr, $3  }
0x3a: {  	_ = 	snop  }
0x3b: {  	_ = 	snop  }
0x3c: {  	p2 =	seq.s32 s10, $0x1;
	s10 =	sld [smem:$0x3FB2]  }
0x3d: {  	_ =	shalt  }
0x3e: {  	_ =	shalt  }
0x3f: {  	_ =	shalt  }
0x40: {  	_ =	shalt  }
0x41: {  	_ =	shalt  }
0x42: {  	_ =	shalt  }
0x43: {  	_ =	shalt  }
0x44: {  	_ =	shalt  }
0x45: {  	_ =	shalt  }
0x46: {  	_ =	shalt  }
0x47: {  	_ =	shalt  }
0x48: {  	_ =	shalt  }
0x49: {  	_ =	shalt  }
0x4a: {  	_ =	shalt  }
0x4b: {  	_ =	shalt  }
0x4c: {  	_ =	shalt  }
0x4d: {  	_ =	shalt  }
0x4e: {  	_ =	shalt  }
0x4f: {  	_ =	shalt  }
0x50: {  	_ =	shalt  }
0x51: {  	_ =	shalt  }
0x52: {  	_ =	shalt  }
0x53: {  	_ =	shalt  }
0x54: {  	_ =	shalt  }
0x55: {  	_ =	shalt  }
0x56: {  	_ =	shalt  }
0x57: {  	_ =	shalt  }
0x58: {  	_ =	shalt  }
0x59: {  	_ =	shalt  }
0x5a: {  	_ =	shalt  }
0x5b: {  	_ =	shalt  }
0x5c: {  	_ =	shalt  }
0x5d: {  	_ =	shalt  }
0x5e: {  	_ =	shalt  }
0x5f: {  	_ =	shalt  }
0x60: {  	_ =	shalt  }
0x61: {  	_ =	shalt  }
0x62: {  	_ =	shalt  }
0x63: {  	_ =	shalt  }
0x64: {  	_ =	shalt  }
0x65: {  	_ =	shalt  }
0x66: {  	_ =	shalt  }
0x67: {  	_ =	shalt  }
0x68: {  	_ =	shalt  }
0x69: {  	_ =	shalt  }
0x6a: {  	_ =	shalt  }
0x6b: {  	_ =	shalt  }
0x6c: {  	_ =	shalt  }
0x6d: {  	_ =	shalt  }
0x6e: {  	_ =	shalt  }
0x6f: {  	_ =	shalt  }
0x70: {  	_ =	shalt  }
0x71: {  	_ =	shalt  }
0x72: {  	_ =	shalt  }
0x73: {  	_ =	shalt  }
0x74: {  	_ =	shalt  }
0x75: {  	_ =	shalt  }
0x76: {  	_ =	shalt  }
0x77: {  	_ =	shalt  }
0x78: {  	_ =	shalt  }
0x79: {  	_ =	shalt  }
0x7a: {  	_ =	shalt  }
0x7b: {  	_ =	shalt  }
0x7c: {  	_ =	shalt  }
0x7d: {  	_ =	shalt  }
0x7e: {  	_ =	shalt  }
0x7f: {  	_ =	shalt  }
0x80: {  	_ =	shalt  }
0x81: {  	_ =	shalt  }
0x82: {  	_ =	shalt  }
0x83: {  	_ =	shalt  }
0x84: {  	_ =	shalt  }
0x85: {  	_ =	shalt  }
0x86: {  	_ =	shalt  }
0x87: {  	_ =	shalt  }
.Lfunc_end0:
.L_simem_size_0:
called_computation.1_lowered:
.L_overlay_start_0:
0x88: {  	s2 =	sld [smem:$0x3FD9]  }
0x89: {  	s3 =	sld [smem:$0x3FFE];
	_ =	sdelay $0x1  }
0x8a: {  	s1 =	srdreg.scid  }
0x8b: {  	s0 =	sand.u32 $0x1, s1  }
0x8c: {  	s16 =	sshll.u32 s0, $0xA;
	s2 =	sadd.s32 s3, s2  }
0x8d: {  	s2 =	sadd.s32 s2, s16  }
0x8e: {  	[smem:$0x3FBE] =	sst s2  }
0x8f: {  	_ = 	snop  }
0x90: {  	(tm) =	ssettm $0x1  }
0x91: {  	s17 =	sld [smem:$0x3FFB];
	_ =	sdelay $0x3  }
0x92: {  	_ =	strace s17  }
0x93: {  	s2 =	sld [smem:$0x3FFC];
	_ =	sdelay $0x3  }
0x94: {  	_ =	strace s2  }
0x95: {  	s2 =	sld [smem:$0x3FFD];
	_ =	sdelay $0x3  }
0x96: {  	_ =	strace s2  }
0x97: {  	_ =	strace $0x8FFFFFFF  }
0x98: {  	s18 =	sld [smem:$0x3FDB];
	_ =	sdelay $0x1  }
0x99: {  	s19 =	simm.s32 $_scs_section_size  }
0x9a: {  	s4 =	simm.s32 $_size__tile_overlayer_lowered;
	s5 =	simm.s32 $_tile_overlayer_lowered  }
0x9b: {  	s22 =	simm.s32 $0x1BFF;
	s21 =	sshll.u32 s5, $0x1;
	s2 =	sadd.s32 s19, s18  }
0x9c: {  	s6 =	simm.s32 $0x0;
	s20 =	sshll.u32 s4, $0x1;
	s4 =	sadd.s32 s21, s2  }
0x9d: {  	[timem:s6], [sflag:s22] =	dma.local [hbm:s4], s20  }
0x9e: {  	_ =	swait.ge [sflag:s22], s20  }
0x9f: {  	s3 =	ssub.s32 $0x0, s20;
	[sflag:s22] =	ssyncset.done $0x0  }
0xa0: {  	[sflag:s22] =	ssyncadd.s32 s3;
	_ =	sdelay $0x1  }
0xa1: {  	s23 =	simm.s32 $0x1B8B  }
0xa2: {  	_ =	swait.ge [sflag:s23], $0x1  }
0xa3: {  	[sflag:s23] =	ssyncset.done $0x0  }
0xa4: {  	s25 =	simm.s32 $0x1B8E;
	s24 =	sld [smem:$0x3FFE];
	[sflag:s23] =	ssyncadd.s32 $0xFFFFFFFF  }
0xa5: {  	s26 =	simm.s32 $execute0_lowered;
	[smem:$0x3FD2] =	sst s25  }
0xa6: {  	s4 =	sshll.u32 s26, $0x1;
	_ =	strace $0x80000049;
	[dreg:$0x1] =	wrdreg $0xFFFFFFFF  }
0xa7: {  	s28 =	simm.s32 $_size_execute0_lowered;
	s2 =	sadd.s32 s2, s4;
	[dreg:$0x0] =	wrdreg $0x0  }
0xa8: {  	s4 =	sshll.u32 s28, $0x1;
	[dreg:$0x2] =	wrdreg s2  }
0xa9: {  	[dreg:$0x3] =	wrdreg s4  }
0xaa: {  	[dreg:$0x4] =	wrdreg $0xC0  }
0xab: {  	_ =	task [dreg:s6], $0x5FFFF  }
0xac: {  	[dreg:$0x1] =	wrdreg $0xFFFFFFFF  }
0xad: {  	[dreg:$0x0] =	wrdreg $0x60  }
0xae: {  	[dreg:$0x2] =	wrdreg s24  }
0xaf: {  	[dreg:$0x3] =	wrdreg $0x9  }
0xb0: {  	_ =	task.clear_ibuf [dreg:s6], $0x4FFFF;
	_ =	strace $0x90000049  }
0xb1: {  	s29 =	simm.s32 $0x9;
	_ =	strace $0x8000004B  }
0xb2: {  	_ =	swait.ge [sflag:s29], $0x1  }
0xb3: {  	[sflag:s29] =	ssyncadd.s32 $0xFFFFFFFF  }
0xb4: {  	_ =	strace $0x9000004B  }
0xb5: {  	_ =	sfence  }
0xb6: {  	s30 =	sld [smem:$0x0];
	_ =	sdelay $0x2  }
0xb7: {  	s31 =	sshll.u32 s1, $0xD;
	s1 =	sshrl.u32 s1, $0x2  }
0xb8: {  	s3 =	sand.u32 $0x4000, s31;
	s1 =	sadd.s32 s1, s30  }
0xb9: {  	s0 =	sor.u32 s3, s0;
	s1 =	sshll.u32 s1, $0x11  }
0xba: {  	s0 =	sor.u32 s1, s0  }
0xbb: {  	s0 =	sadd.s32 $0x8F2B, s0  }
0xbc: {  	[sflag:s0] =	ssyncadd.remote.s32 $0x1  }
0xbd: {  	_ =	sfence.sel $0xFFFF  }
0xbe: {  	[dreg:$0x0] =	wrdreg $0xFFFFFFFF;
	(pc) =	sbr.abs _section_cstart, $3  }
0xbf: {  	[dreg:$0x1] =	wrdreg $0xFFFFFFFF  }
0xc0: {  	_ =	task.clear_ibuf [dreg:s6], $0x2FFFF;
	_ =	strace $0x9FFFFFFF  }
0xc1: {  	(tm) =	ssettm $0x7FFFFFFF  }
tec
execute0_lowered:
.L_overlay_start_1:
0x0: {  	(tag) =	ssettag $0x1  }
0x1: {  	s1 =	srdreg.scid  }
0x2: {  	s0 =	stileid.u32;
	s4 =	rddreg [dreg:$0x0];
	s2 =	simm.s32 $0x0  }
0x3: {  	s10 =	simm.s32 $0x4F00;
	s3 =	sand.u32 $0x1, s1;
	s31 =	sshll.u32 s0, $0x1  }
0x4: {  	s11 =	simm.s32 $0x7700;
	s1 =	rddreg [dreg:$0x1];
	s5 =	sor.u32 s3, s31  }
0x5: {  	s12 =	simm.s32 $0x0;
	[smem:$0x7FF] =	sst s2;
	s6 =	smul.u32 $0x2710, s5  }
0x6: {  	s7 =	ssub.s32 $0x2, s3;
	_ =	strace $0x8000004A;
	s3 =	sadd.s32 $0x15C00, s4  }
0x7: {  	s5 =	smul.u32 $0xA00, s5;
	s8 =	sshrl.u32 s7, $0x1;
	s6 =	sshrl.u32 s6, $0x3  }
0x8: {  	s7 =	ssub.s32 s7, s8;
	s8 =	simm.s32 $0x1;
	s6 =	sadd.s32 s6, s4  }
0x9: {  	s9 =	sadd.s32 s5, s4;
	s7 =	smax.u32 s7, $0x1;
	s4 =	sadd.s32 $0x2200, s6  }
0xa: {  	v0 =	vimm.f32 $0.0e+00;
	s5 =	sadd.s32 $0xBE40, s6;
	s6 =	sadd.s32 $0x16200, s9;
	s9 =	simm.s32 $0x2780  }
.LBB2_1:
0xb: {  	[tilespmem:s2], [sflag:$0x1] =	stream.linear.gather [hbm4b:s4+s2], $0x2710, $0x38;
	[tilespmem:$0xC700] =	vst v63  }
0xc: {  	_ =	swait.ge [sflag:s8], $0x2710  }
0xd: {  	[sflag:s8] =	ssyncset.done $0x0  }
0xe: {  	[sflag:s8] =	ssyncadd.s32 $0xFFFFD8F0  }
0xf: {  	[tilespmem:s9], [sflag:$0x1] =	stream.linear.gather [hbm4b:s5+s2], $0x2710, $0x38;
	[tilespmem:$0xC700] =	vst v63  }
0x10: {  	_ =	swait.ge [sflag:s8], $0x2710  }
0x11: {  	[sflag:s8] =	ssyncset.done $0x0  }
0x12: {  	[sflag:s8] =	ssyncadd.s32 $0xFFFFD8F0  }
0x13: {  	[tilespmem:s10], [sflag:$0x1] =	stream.linear.gather [hbm4b:s3+s2], $0x2800, $0x38;
	[tilespmem:$0xC700] =	vst v63  }
0x14: {  	_ =	swait.ge [sflag:s8], $0x2800  }
0x15: {  	[sflag:s8] =	ssyncset.done $0x0  }
0x16: {  	s15 =	simm.s32 $0x7800;
	[sflag:s8] =	ssyncadd.s32 $0xFFFFD800  }
0x17: {  	[tilespmem:s15+$0xFFFFFF00] =	vst v0  }
0x18: {  	[tilespmem:s15+$0xF0] =	vst v0  }
0x19: {  	[tilespmem:s15+$0xE0] =	vst v0  }
0x1a: {  	[tilespmem:s15+$0xD0] =	vst v0  }
0x1b: {  	[tilespmem:s15+$0xC0] =	vst v0  }
0x1c: {  	[tilespmem:s15+$0xB0] =	vst v0  }
0x1d: {  	[tilespmem:s15+$0xA0] =	vst v0  }
0x1e: {  	[tilespmem:s15+$0x90] =	vst v0  }
0x1f: {  	[tilespmem:s15+$0x80] =	vst v0  }
0x20: {  	[tilespmem:s15+$0x70] =	vst v0  }
0x21: {  	[tilespmem:s15+$0x60] =	vst v0  }
0x22: {  	[tilespmem:s15+$0x50] =	vst v0  }
0x23: {  	[tilespmem:s15+$0x40] =	vst v0  }
0x24: {  	[tilespmem:s15+$0x30] =	vst v0  }
0x25: {  	[tilespmem:s15+$0x20] =	vst v0  }
0x26: {  	[tilespmem:s15+$0x10] =	vst v0  }
0x27: {  	[tilespmem:s15+$0x0] =	vst v0  }
0x28: {  	[tilespmem:s15+$0xFFFFFFF0] =	vst v0  }
0x29: {  	[tilespmem:s15+$0xFFFFFFE0] =	vst v0  }
0x2a: {  	[tilespmem:s15+$0xFFFFFFD0] =	vst v0  }
0x2b: {  	[tilespmem:s15+$0xFFFFFFC0] =	vst v0  }
0x2c: {  	[tilespmem:s15+$0xFFFFFFB0] =	vst v0  }
0x2d: {  	[tilespmem:s15+$0xFFFFFFA0] =	vst v0  }
0x2e: {  	[tilespmem:s15+$0xFFFFFF90] =	vst v0  }
0x2f: {  	[tilespmem:s15+$0xFFFFFF80] =	vst v0  }
0x30: {  	[tilespmem:s15+$0xFFFFFF70] =	vst v0  }
0x31: {  	[tilespmem:s15+$0xFFFFFF60] =	vst v0  }
0x32: {  	[tilespmem:s15+$0xFFFFFF50] =	vst v0  }
0x33: {  	[tilespmem:s15+$0xFFFFFF40] =	vst v0  }
0x34: {  	[tilespmem:s15+$0xFFFFFF30] =	vst v0  }
0x35: {  	s17 =	simm.s32 $0x0;
	s16 =	simm.s32 $0x50;
	s13 =	simm.s32 $0x27D0;
	[tilespmem:s15+$0xFFFFFF20] =	vst v0  }
.LBB2_2:
0x36: {  	s17 =	sadd.s32 $0x4, s17;
	[tilespmem:s15+$0xFFFFFF10] =	vst v0;
	s15 =	sadd.s32 $0x200, s15  }
0x37: {  	[tilespmem:s15+$0xFFFFFF00] =	vst v0;
	p0 =	slt.u32 s17, $0x9C  }
0x38: {  	[tilespmem:s15+$0xF0] =	vst v0  }
0x39: {  	[tilespmem:s15+$0xE0] =	vst v0  }
0x3a: {  	[tilespmem:s15+$0xD0] =	vst v0  }
0x3b: {  	[tilespmem:s15+$0xC0] =	vst v0  }
0x3c: {  	[tilespmem:s15+$0xB0] =	vst v0  }
0x3d: {  	[tilespmem:s15+$0xA0] =	vst v0  }
0x3e: {  	[tilespmem:s15+$0x90] =	vst v0  }
0x3f: {  	[tilespmem:s15+$0x80] =	vst v0  }
0x40: {  	[tilespmem:s15+$0x70] =	vst v0  }
0x41: {  	[tilespmem:s15+$0x60] =	vst v0  }
0x42: {  	[tilespmem:s15+$0x50] =	vst v0  }
0x43: {  	[tilespmem:s15+$0x40] =	vst v0  }
0x44: {  	[tilespmem:s15+$0x30] =	vst v0  }
0x45: {  	[tilespmem:s15+$0x20] =	vst v0  }
0x46: {  	[tilespmem:s15+$0x10] =	vst v0  }
0x47: {  	[tilespmem:s15+$0x0] =	vst v0  }
0x48: {  	[tilespmem:s15+$0xFFFFFFF0] =	vst v0  }
0x49: {  	[tilespmem:s15+$0xFFFFFFE0] =	vst v0  }
0x4a: {  	[tilespmem:s15+$0xFFFFFFD0] =	vst v0  }
0x4b: {  	[tilespmem:s15+$0xFFFFFFC0] =	vst v0  }
0x4c: {  	[tilespmem:s15+$0xFFFFFFB0] =	vst v0  }
0x4d: {  	[tilespmem:s15+$0xFFFFFFA0] =	vst v0  }
0x4e: {  	[tilespmem:s15+$0xFFFFFF90] =	vst v0  }
0x4f: {  	[tilespmem:s15+$0xFFFFFF80] =	vst v0  }
0x50: {  	[tilespmem:s15+$0xFFFFFF70] =	vst v0  }
.Ltmp0:
0x51: {  	[tilespmem:s15+$0xFFFFFF60] =	vst v0;
	(pc) =	sbr.rel @p0 .LBB2_2-.Ltmp0, $4  }
0x52: {  	[tilespmem:s15+$0xFFFFFF50] =	vst v0  }
0x53: {  	[tilespmem:s15+$0xFFFFFF40] =	vst v0  }
0x54: {  	[tilespmem:s15+$0xFFFFFF30] =	vst v0  }
0x55: {  	s14 =	simm.s32 $0x0;
	[tilespmem:s15+$0xFFFFFF20] =	vst v0  }
0x56: {  	[tilespmem:s15+$0xFFFFFF10] =	vst v0  }
0x57: {  	v1 =	vld [tilespmem:s16+$0x40]  }
0x58: {  	v2 =	vld [tilespmem:s16+$0xFFFFFFC0]  }
0x59: {  	s31 =	sand.u32 $0x3FE0, s14;
	v3 =	vld [tilespmem:s16+$0xFFFFFFD0]  }
0x5a: {  	v4 =	vld [tilespmem:s31+$0x80]  }
0x5b: {  	v5 =	vld [tilespmem:s16+$0xFFFFFFE0]  }
0x5c: {  	v6 =	vld [tilespmem:s16+$0xFFFFFFF0]  }
0x5d: {  	v7 =	vld [tilespmem:s16+$0x0]  }
0x5e: {  	v8 =	vld [tilespmem:s13+$0x40]  }
0x5f: {  	v9 =	vld [tilespmem:s31+$0x2800]  }
0x60: {  	v10 =	vld [tilespmem:s16+$0x10]  }
0x61: {  	v11 =	vld [tilespmem:s16+$0x20]  }
0x62: {  	v13 =	vld [tilespmem:s16+$0xFFFFFFB0]  }
0x63: {  	v50 =	vld [tilespmem:s13+$0xFFFFFFB0]  }
0x64: {  	v51 =	vld [tilespmem:s13+$0xFFFFFFC0]  }
0x65: {  	v52 =	vld [tilespmem:s13+$0xFFFFFFD0]  }
0x66: {  	v53 =	vld [tilespmem:s13+$0xFFFFFFE0]  }
0x67: {  	v54 =	vld [tilespmem:s13+$0xFFFFFFF0]  }
0x68: {  	v56 =	vld [tilespmem:s13+$0x0]  }
0x69: {  	v17 =	vld [tilespmem:s13+$0x10]  }
0x6a: {  	v19 =	vld [tilespmem:s13+$0x20]  }
0x6b: {  	v1 =	vld.idx.msk [tilespmem:v1+s10+$0x0], $0xffff  }
0x6c: {  	v4 =	vld.idx.msk [tilespmem:v4+s10+$0x0], $0xffff  }
0x6d: {  	v2 =	vld.idx.msk [tilespmem:v2+s10+$0x0], $0xffff  }
0x6e: {  	v3 =	vld.idx.msk [tilespmem:v3+s10+$0x0], $0xffff  }
0x6f: {  	v45 =	vld.idx.msk [tilespmem:v13+s10+$0x0], $0xffff  }
0x70: {  	v46 =	vld.idx.msk [tilespmem:v6+s10+$0x0], $0xffff  }
0x71: {  	v47 =	vld.idx.msk [tilespmem:v7+s10+$0x0], $0xffff  }
0x72: {  	v48 =	vld.idx.msk [tilespmem:v10+s10+$0x0], $0xffff  }
0x73: {  	v49 =	vld.idx.msk [tilespmem:v11+s10+$0x0], $0xffff;
	v15 =	vand.u32 $0xFFFF0000, v1  }
0x74: {  	v12 =	vadd.s32 $0x2800, v8;
	v44 =	vand.u32 $0xFFFF0000, v4;
	[tilespmem:v8+s11+$0x0] =	vst.idx.add.f32.msk $0xffff, v15  }
0x75: {  	v14 =	vadd.s32 $0x2800, v9;
	v18 =	vand.u32 $0xFFFF0000, v45;
	[tilespmem:v9+s11+$0x0] =	vst.idx.add.f32.msk $0xffff, v44  }
0x76: {  	v20 =	vand.u32 $0xFFFF0000, v2;
	[tilespmem:v50+s11+$0x0] =	vst.idx.add.f32.msk $0xffff, v18  }
0x77: {  	v58 =	vand.u32 $0xFFFF0000, v3;
	[tilespmem:v51+s11+$0x0] =	vst.idx.add.f32.msk $0xffff, v20  }
0x78: {  	v1 =	vshll.u32 v1, $0x10;
	[tilespmem:v52+s11+$0x0] =	vst.idx.add.f32.msk $0xffff, v58  }
0x79: {  	v16 =	vadd.s32 $0x2800, v51;
	[tilespmem:v12+s11+$0x0] =	vst.idx.add.f32.msk $0xffff, v1;
	v1 =	vshll.u32 v4, $0x10  }
0x7a: {  	[tilespmem:v14+s11+$0x0] =	vst.idx.add.f32.msk $0xffff, v1  }
0x7b: {  	v21 =	vadd.s32 $0x2800, v52;
	v60 =	vand.u32 $0xFFFF0000, v46;
	v1 =	vld.idx.msk [tilespmem:v5+s10+$0x0], $0xffff  }
0x7c: {  	v62 =	vand.u32 $0xFFFF0000, v47;
	[tilespmem:v54+s11+$0x0] =	vst.idx.add.f32.msk $0xffff, v60  }
0x7d: {  	v57 =	vadd.s32 $0x2800, v53;
	v2 =	vshll.u32 v2, $0x10;
	[tilespmem:v56+s11+$0x0] =	vst.idx.add.f32.msk $0xffff, v62  }
0x7e: {  	v63 =	vand.u32 $0xFFFF0000, v48;
	[tilespmem:v16+s11+$0x0] =	vst.idx.add.f32.msk $0xffff, v2;
	v2 =	vshll.u32 v3, $0x10;
	v3 =	vadd.s32 $0x2800, v54  }
0x7f: {  	v55 =	vadd.s32 $0x2800, v50;
	[tilespmem:v17+s11+$0x0] =	vst.idx.add.f32.msk $0xffff, v63  }
0x80: {  	[tilespmem:v21+s11+$0x0] =	vst.idx.add.f32.msk $0xffff, v2;
	v2 =	vadd.s32 $0x2800, v56;
	v59 =	vand.u32 $0xFFFF0000, v1  }
0x81: {  	v61 =	vadd.s32 $0x2800, v17;
	v1 =	vshll.u32 v1, $0x10;
	[tilespmem:v53+s11+$0x0] =	vst.idx.add.f32.msk $0xffff, v59  }
0x82: {  	[tilespmem:v57+s11+$0x0] =	vst.idx.add.f32.msk $0xffff, v1;
	v1 =	vshll.u32 v46, $0x10  }
0x83: {  	v4 =	vshll.u32 v45, $0x10;
	[tilespmem:v3+s11+$0x0] =	vst.idx.add.f32.msk $0xffff, v1;
	v3 =	vadd.s32 $0x2800, v19  }
0x84: {  	[tilespmem:v55+s11+$0x0] =	vst.idx.add.f32.msk $0xffff, v4;
	v1 =	vshll.u32 v47, $0x10  }
0x85: {  	[tilespmem:v2+s11+$0x0] =	vst.idx.add.f32.msk $0xffff, v1;
	v1 =	vshll.u32 v48, $0x10  }
0x86: {  	v2 =	vand.u32 $0xFFFF0000, v49;
	[tilespmem:v61+s11+$0x0] =	vst.idx.add.f32.msk $0xffff, v1  }
0x87: {  	v1 =	vshll.u32 v49, $0x10;
	[tilespmem:v19+s11+$0x0] =	vst.idx.add.f32.msk $0xffff, v2  }
0x88: {  	s15 =	simm.s32 $0x0;
	s17 =	simm.s32 $0x0;
	s16 =	simm.s32 $0xF0;
	[tilespmem:v3+s11+$0x0] =	vst.idx.add.f32.msk $0xffff, v1  }
.LBB2_4:
0x89: {  	v1 =	vld [tilespmem:s16+$0x40]  }
0x8a: {  	s17 =	sadd.s32 $0xA0, s17;
	v2 =	vld [tilespmem:s16+$0xFFFFFFC0]  }
0x8b: {  	s18 =	sand.u32 $0x3FE0, s17;
	v3 =	vld [tilespmem:s16+$0xFFFFFFD0]  }
0x8c: {  	s15 =	sadd.s32 $0xA, s15;
	v4 =	vld [tilespmem:s18+$0x80]  }
0x8d: {  	p0 =	slt.u32 s15, $0x262;
	v5 =	vld [tilespmem:s16+$0xFFFFFFE0]  }
0x8e: {  	v6 =	vld [tilespmem:s16+$0xFFFFFFF0]  }
0x8f: {  	s13 =	sadd.s32 $0xA0, s13;
	v7 =	vld [tilespmem:s16+$0x0]  }
0x90: {  	v8 =	vld [tilespmem:s13+$0x40]  }
0x91: {  	v1 =	vld.idx.msk [tilespmem:v1+s10+$0x0], $0xffff  }
0x92: {  	v9 =	vld [tilespmem:s18+$0x2800]  }
0x93: {  	v10 =	vld [tilespmem:s16+$0x10]  }
0x94: {  	v4 =	vld.idx.msk [tilespmem:v4+s10+$0x0], $0xffff  }
0x95: {  	v11 =	vld [tilespmem:s16+$0x20];
	v12 =	vadd.s32 $0x2800, v8  }
0x96: {  	v13 =	vld [tilespmem:s16+$0xFFFFFFB0]  }
0x97: {  	v2 =	vld.idx.msk [tilespmem:v2+s10+$0x0], $0xffff;
	v14 =	vadd.s32 $0x2800, v9  }
0x98: {  	v15 =	vand.u32 $0xFFFF0000, v1;
	v3 =	vld.idx.msk [tilespmem:v3+s10+$0x0], $0xffff  }
0x99: {  	v1 =	vshll.u32 v1, $0x10;
	[tilespmem:v8+s11+$0x0] =	vst.idx.add.f32.msk $0xffff, v15  }
0x9a: {  	v8 =	vand.u32 $0xFFFF0000, v4;
	[tilespmem:v12+s11+$0x0] =	vst.idx.add.f32.msk $0xffff, v1  }
0x9b: {  	v1 =	vshll.u32 v4, $0x10;
	[tilespmem:v9+s11+$0x0] =	vst.idx.add.f32.msk $0xffff, v8  }
0x9c: {  	[tilespmem:v14+s11+$0x0] =	vst.idx.add.f32.msk $0xffff, v1  }
0x9d: {  	v1 =	vand.u32 $0xFFFF0000, v2;
	v2 =	vshll.u32 v2, $0x10;
	v4 =	vld.idx.msk [tilespmem:v5+s10+$0x0], $0xffff  }
0x9e: {  	v8 =	vand.u32 $0xFFFF0000, v3;
	v3 =	vshll.u32 v3, $0x10;
	v5 =	vld.idx.msk [tilespmem:v13+s10+$0x0], $0xffff  }
0x9f: {  	v6 =	vld.idx.msk [tilespmem:v6+s10+$0x0], $0xffff  }
0xa0: {  	v7 =	vld.idx.msk [tilespmem:v7+s10+$0x0], $0xffff  }
0xa1: {  	v9 =	vld.idx.msk [tilespmem:v10+s10+$0x0], $0xffff  }
0xa2: {  	v10 =	vld.idx.msk [tilespmem:v11+s10+$0x0], $0xffff  }
0xa3: {  	v12 =	vand.u32 $0xFFFF0000, v4;
	v4 =	vshll.u32 v4, $0x10;
	v11 =	vld [tilespmem:s13+$0xFFFFFFB0]  }
0xa4: {  	v13 =	vand.u32 $0xFFFF0000, v5;
	v5 =	vshll.u32 v5, $0x10;
	v14 =	vld [tilespmem:s13+$0xFFFFFFC0]  }
0xa5: {  	v16 =	vand.u32 $0xFFFF0000, v6;
	v6 =	vshll.u32 v6, $0x10;
	v15 =	vld [tilespmem:s13+$0xFFFFFFD0]  }
0xa6: {  	v18 =	vand.u32 $0xFFFF0000, v7;
	v7 =	vshll.u32 v7, $0x10;
	v17 =	vld [tilespmem:s13+$0xFFFFFFE0]  }
0xa7: {  	v20 =	vand.u32 $0xFFFF0000, v9;
	v9 =	vshll.u32 v9, $0x10;
	v19 =	vld [tilespmem:s13+$0xFFFFFFF0]  }
0xa8: {  	v23 =	vand.u32 $0xFFFF0000, v10;
	v10 =	vshll.u32 v10, $0x10;
	v21 =	vadd.s32 $0x2800, v11;
	v22 =	vld [tilespmem:s13+$0x0]  }
0xa9: {  	v24 =	vadd.s32 $0x2800, v14;
	v25 =	vld [tilespmem:s13+$0x10]  }
0xaa: {  	v26 =	vadd.s32 $0x2800, v15;
	v27 =	vld [tilespmem:s13+$0x20]  }
0xab: {  	[tilespmem:v11+s11+$0x0] =	vst.idx.add.f32.msk $0xffff, v13;
	v11 =	vadd.s32 $0x2800, v17  }
0xac: {  	[tilespmem:v14+s11+$0x0] =	vst.idx.add.f32.msk $0xffff, v1;
	v1 =	vadd.s32 $0x2800, v19  }
0xad: {  	[tilespmem:v21+s11+$0x0] =	vst.idx.add.f32.msk $0xffff, v5;
	v5 =	vadd.s32 $0x2800, v22  }
0xae: {  	[tilespmem:v24+s11+$0x0] =	vst.idx.add.f32.msk $0xffff, v2;
	v2 =	vadd.s32 $0x2800, v25  }
0xaf: {  	[tilespmem:v15+s11+$0x0] =	vst.idx.add.f32.msk $0xffff, v8;
	v8 =	vadd.s32 $0x2800, v27  }
0xb0: {  	[tilespmem:v26+s11+$0x0] =	vst.idx.add.f32.msk $0xffff, v3  }
0xb1: {  	[tilespmem:v17+s11+$0x0] =	vst.idx.add.f32.msk $0xffff, v12  }
0xb2: {  	[tilespmem:v11+s11+$0x0] =	vst.idx.add.f32.msk $0xffff, v4  }
0xb3: {  	[tilespmem:v19+s11+$0x0] =	vst.idx.add.f32.msk $0xffff, v16  }
0xb4: {  	[tilespmem:v1+s11+$0x0] =	vst.idx.add.f32.msk $0xffff, v6  }
0xb5: {  	[tilespmem:v22+s11+$0x0] =	vst.idx.add.f32.msk $0xffff, v18  }
.Ltmp1:
0xb6: {  	[tilespmem:v5+s11+$0x0] =	vst.idx.add.f32.msk $0xffff, v7;
	(pc) =	sbr.rel @p0 .LBB2_4-.Ltmp1, $4  }
0xb7: {  	[tilespmem:v25+s11+$0x0] =	vst.idx.add.f32.msk $0xffff, v20  }
0xb8: {  	[tilespmem:v2+s11+$0x0] =	vst.idx.add.f32.msk $0xffff, v9  }
0xb9: {  	[tilespmem:v27+s11+$0x0] =	vst.idx.add.f32.msk $0xffff, v23  }
0xba: {  	s16 =	sadd.s32 $0xA0, s16;
	[tilespmem:v8+s11+$0x0] =	vst.idx.add.f32.msk $0xffff, v10  }
.LBB2_5:
0xbb: {  	s13 =	sshra.s32 s14, $0x2  }
0xbc: {  	v1 =	vld [tilespmem:s13+$0x26C0];
	_ =	sdelay $0x4  }
0xbd: {  	v2 =	vld [tilespmem:s13+$0x4E40];
	_ =	sdelay $0x2  }
0xbe: {  	v1 =	vld.idx.msk [tilespmem:v1+s10+$0x0], $0xffff;
	_ =	sdelay $0x1  }
0xbf: {  	p0 =	sne.s32 s14, $0x100;
	v3 =	vadd.s32 $0x2800, v2  }
.Ltmp2:
0xc0: {  	_ = 	snop;
	(pc) =	sbr.rel @p0 .LBB2_5-.Ltmp2, $4  }
0xc1: {  	_ = 	snop  }
0xc2: {  	v4 =	vand.u32 $0xFFFF0000, v1  }
0xc3: {  	v1 =	vshll.u32 v1, $0x10;
	[tilespmem:v2+s11+$0x0] =	vst.idx.add.f32.msk $0xffff, v4  }
0xc4: {  	s14 =	sadd.s32 $0x40, s14;
	[tilespmem:v3+s11+$0x0] =	vst.idx.add.f32.msk $0xffff, v1  }
0xc5: {  	s12 =	sadd.s32 $0x1, s12  }
0xc6: {  	p0 =	sne.s32 s12, s7  }
.Ltmp3:
0xc7: {  	_ = 	snop;
	(pc) =	sbr.rel @p0 .LBB2_1-.Ltmp3, $4  }
0xc8: {  	[hbm4b:s6+s2] =	stream.linear.scatter [tilespmem:s11], [sflag:$0x1], $0x5000, $0x38;
	[tilespmem:$0xC700] =	vst v63  }
0xc9: {  	_ =	swait.ge [sflag:s8], $0x5000  }
0xca: {  	[sflag:s8] =	ssyncset.done $0x0  }
0xcb: {  	[sflag:s8] =	ssyncadd.s32 $0xFFFFB000  }
0xcc: {  	_ =	sfence.sel $0x180000  }
0xcd: {  	[bflag:$0x0] =	sbarrier.arrive $0xFFFF  }
0xce: {  	p0 =	sne.s32 s0, $0x0;
	_ =	strace $0x9000004A  }
0xcf: {  	s0 =	sadd.s32 @!p0 $0x100000, s1;
	[bflag:$0x2] =	sbarrier.arrive $0xFFFF  }
0xd0: {  	[sflag:s0] =	ssyncadd.tile.s32 @!p0 $0x1;
	_ =	shalt  }
.Lfunc_end2:
_tile_overlayer_lowered:
.L_overlay_start_2:
0xd1: {  	(tag) =	ssettag $0x2  }
0xd2: {  	s0 =	rddreg [dreg:$0x0];
	s2 =	stileid.u32  }
0xd3: {  	s1 =	rddreg [dreg:$0x1];
	p0 =	sne.s32 s2, $0x0  }
0xd4: {  	s3 =	rddreg [dreg:$0x2];
	[bflag:$0x3] =	sbarrier.arrive $0xFFFF;
	s2 =	simm.s32 @!p0 $0x1C01  }
0xd5: {  	[timem:s3], [sflag:s2] =	dma.local @!p0 [hbm:s0], s1  }
0xd6: {  	s0 =	simm.s32 @!p0 $0x1  }
0xd7: {  	_ =	swait.ge @!p0 [sflag:s0], s1  }
0xd8: {  	s1 =	ssub.s32 @!p0 $0x0, s1;
	[sflag:s0] =	ssyncset.done @!p0 $0x0  }
0xd9: {  	[sflag:s0] =	ssyncadd.s32 @!p0 s1  }
0xda: {  	[bflag:$0x3] =	sbarrier.arrive $0xFFFF  }
0xdb: {  	_ =	shalt  }

// kernel: kernel.7.cloned.1.call-start
scs
__scs_entry_jumppad:
0x0: {  	(pc) =	sbr.rel $0x88, $3  }
0x1: {  	(tag) =	ssettag $0x0;
	lr =	simm.s32 $0x1  }
0x2: {  	[smem:$0x3F97] =	sst lr;
	_ =	strace $0xD0000000  }
0x3: {  	_ = 	snop  }
0x4: {  	_ = 	snop  }
0x5: {  	_ = 	snop  }
0x6: {  	_ = 	snop  }
0x7: {  	_ = 	snop  }
__scs_overlays_trampoline_lowered:
0x8: {  	[smem:$0x3FA6] =	sst s0  }
0x9: {  	[smem:$0x3FA7] =	sst s1  }
0xa: {  	[smem:$0x3FA8] =	sst s2  }
0xb: {  	[smem:$0x3FA9] =	sst s3  }
0xc: {  	[smem:$0x3FAA] =	sst s4  }
0xd: {  	[smem:$0x3FAB] =	sst s5  }
0xe: {  	[smem:$0x3FAC] =	sst s6  }
0xf: {  	[smem:$0x3FAD] =	sst s7  }
0x10: {  	[smem:$0x3FAE] =	sst s8  }
0x11: {  	[smem:$0x3FAF] =	sst s9;
	s0 =	simm.s32 @!p0 $0x0  }
0x12: {  	s1 =	sld [smem:$0x3F95];
	s0 =	simm.s32 @p0 $0x1  }
0x13: {  	[smem:$0x3FB0] =	sst s0;
	s0 =	simm.s32 @!p1 $0x0  }
0x14: {  	s2 =	sld [smem:$0x3F94];
	s0 =	simm.s32 @p1 $0x1  }
0x15: {  	[smem:$0x3FB1] =	sst s0;
	s0 =	simm.s32 @!p2 $0x0  }
0x16: {  	s3 =	sld [smem:$0x3FDB];
	s0 =	simm.s32 @p2 $0x1  }
0x17: {  	s4 =	simm.s32 $0x1BF5;
	[smem:$0x3FB3] =	sst s0  }
0x18: {  	s0 =	sld [smem:$0x3F96];
	_ =	swait.ge [sflag:s4], $0x0  }
0x19: {  	s7 =	sld [smem:$0x3F97]  }
0x1a: {  	s8 =	sadd.s32 $0xFFFFE003, lr  }
0x1b: {  	s9 =	sadd.s32 $0xFFFFFEF7, lr;
	s5 =	simm.s32 $0xFFFFFFFF;
	p2 =	slt.u32 s8, $0xFFFFF086  }
0x1c: {  	p1 =	slt.u32 s9, $0xF7A;
	s5 =	simm.s32 @!p2 $0x0  }
0x1d: {  	s5 =	simm.s32 @p1 $0x1;
	p0 =	seq.s32 s7, s2  }
0x1e: {  	s7 =	smul.u32 @!p0 $0xF7A, s2;
	p2 =	seq.s32 @!p0 s5, $0x0  }
0x1f: {  	s9 =	smul.u32 $0xF7A, s1;
	s8 =	simm.s32 @!p0 $0x1BF5;
	p2 =	por !p2, p0  }
0x20: {  	[sflag:s8] =	ssyncset.s32 @!p0 $0xFFFFF086;
	s6 =	sadd.s32 @!p0 s3, s7;
	s7 =	simm.s32 @!p0 $0x108  }
0x21: {  	s3 =	sadd.s32 s3, s9;
	s6 =	sadd.s32 @!p0 $0x88, s6;
	s7 =	simm.s32 @p2 $0x1082  }
0x22: {  	[simem:s7], [sflag:s8] =	dma.local @!p0 [hbm:s6], $0xF7A  }
0x23: {  	s9 =	sor.u32 $0xD0000000, s2;
	s6 =	simm.s32 $0x108;
	_ =	swait.ge @!p0 [sflag:s8], $0x0  }
0x24: {  	s3 =	sadd.s32 $0x88, s3;
	s6 =	simm.s32 @!p1 $0x1082;
	[sflag:s4] =	ssyncset.s32 $0xFFFFF086  }
0x25: {  	[simem:s6], [sflag:s4] =	dma.local [hbm:s3], $0xF7A  }
0x26: {  	[smem:$0x3F97] =	sst s1;
	(tag) =	ssettag s2;
	_ =	strace s9  }
0x27: {  	s1 =	sld [smem:$0x3FA7]  }
0x28: {  	s2 =	sld [smem:$0x3FA8]  }
0x29: {  	s4 =	sld [smem:$0x3FAA]  }
0x2a: {  	p0 =	seq.s32 s5, $0x0;
	s5 =	sld [smem:$0x3FAB]  }
0x2b: {  	s6 =	sld [smem:$0x3FAC]  }
0x2c: {  	s7 =	sld [smem:$0x3FAD]  }
0x2d: {  	s3 =	simm.s32 $0x108;
	s8 =	sld [smem:$0x3FAE]  }
0x2e: {  	s3 =	simm.s32 @!p0 $0x1082;
	s9 =	sld [smem:$0x3FAF]  }
0x2f: {  	lr =	sadd.s32 s0, s3;
	s0 =	sld [smem:$0x3FA6]  }
0x30: {  	s3 =	sld [smem:$0x3FA9]  }
0x31: {  	[smem:$0x3FB2] =	sst s10  }
0x32: {  	s10 =	sld [smem:$0x3FB0];
	_ =	sdelay $0x3  }
0x33: {  	p0 =	seq.s32 s10, $0x1;
	s10 =	sld [smem:$0x3FB2];
	_ =	sdelay $0x3  }
0x34: {  	[smem:$0x3FB2] =	sst s10  }
0x35: {  	s10 =	sld [smem:$0x3FB1];
	_ =	sdelay $0x3  }
0x36: {  	p1 =	seq.s32 s10, $0x1;
	s10 =	sld [smem:$0x3FB2];
	_ =	sdelay $0x3  }
0x37: {  	[smem:$0x3FB2] =	sst s10  }
0x38: {  	s10 =	sld [smem:$0x3FB3]  }
0x39: {  	_ = 	snop;
	(pc) =	sbr.ind lr, $3  }
0x3a: {  	_ = 	snop  }
0x3b: {  	_ = 	snop  }
0x3c: {  	p2 =	seq.s32 s10, $0x1;
	s10 =	sld [smem:$0x3FB2]  }
0x3d: {  	_ =	shalt  }
0x3e: {  	_ =	shalt  }
0x3f: {  	_ =	shalt  }
0x40: {  	_ =	shalt  }
0x41: {  	_ =	shalt  }
0x42: {  	_ =	shalt  }
0x43: {  	_ =	shalt  }
0x44: {  	_ =	shalt  }
0x45: {  	_ =	shalt  }
0x46: {  	_ =	shalt  }
0x47: {  	_ =	shalt  }
0x48: {  	_ =	shalt  }
0x49: {  	_ =	shalt  }
0x4a: {  	_ =	shalt  }
0x4b: {  	_ =	shalt  }
0x4c: {  	_ =	shalt  }
0x4d: {  	_ =	shalt  }
0x4e: {  	_ =	shalt  }
0x4f: {  	_ =	shalt  }
0x50: {  	_ =	shalt  }
0x51: {  	_ =	shalt  }
0x52: {  	_ =	shalt  }
0x53: {  	_ =	shalt  }
0x54: {  	_ =	shalt  }
0x55: {  	_ =	shalt  }
0x56: {  	_ =	shalt  }
0x57: {  	_ =	shalt  }
0x58: {  	_ =	shalt  }
0x59: {  	_ =	shalt  }
0x5a: {  	_ =	shalt  }
0x5b: {  	_ =	shalt  }
0x5c: {  	_ =	shalt  }
0x5d: {  	_ =	shalt  }
0x5e: {  	_ =	shalt  }
0x5f: {  	_ =	shalt  }
0x60: {  	_ =	shalt  }
0x61: {  	_ =	shalt  }
0x62: {  	_ =	shalt  }
0x63: {  	_ =	shalt  }
0x64: {  	_ =	shalt  }
0x65: {  	_ =	shalt  }
0x66: {  	_ =	shalt  }
0x67: {  	_ =	shalt  }
0x68: {  	_ =	shalt  }
0x69: {  	_ =	shalt  }
0x6a: {  	_ =	shalt  }
0x6b: {  	_ =	shalt  }
0x6c: {  	_ =	shalt  }
0x6d: {  	_ =	shalt  }
0x6e: {  	_ =	shalt  }
0x6f: {  	_ =	shalt  }
0x70: {  	_ =	shalt  }
0x71: {  	_ =	shalt  }
0x72: {  	_ =	shalt  }
0x73: {  	_ =	shalt  }
0x74: {  	_ =	shalt  }
0x75: {  	_ =	shalt  }
0x76: {  	_ =	shalt  }
0x77: {  	_ =	shalt  }
0x78: {  	_ =	shalt  }
0x79: {  	_ =	shalt  }
0x7a: {  	_ =	shalt  }
0x7b: {  	_ =	shalt  }
0x7c: {  	_ =	shalt  }
0x7d: {  	_ =	shalt  }
0x7e: {  	_ =	shalt  }
0x7f: {  	_ =	shalt  }
0x80: {  	_ =	shalt  }
0x81: {  	_ =	shalt  }
0x82: {  	_ =	shalt  }
0x83: {  	_ =	shalt  }
0x84: {  	_ =	shalt  }
0x85: {  	_ =	shalt  }
0x86: {  	_ =	shalt  }
0x87: {  	_ =	shalt  }
.Lfunc_end0:
.L_simem_size_0:
called_computation_lowered:
.L_overlay_start_0:
0x88: {  	s2 =	sld [smem:$0x3FD9]  }
0x89: {  	s3 =	sld [smem:$0x3FFE];
	_ =	sdelay $0x1  }
0x8a: {  	s1 =	srdreg.scid  }
0x8b: {  	s0 =	sand.u32 $0x1, s1  }
0x8c: {  	s16 =	sshll.u32 s0, $0xA;
	s2 =	sadd.s32 s3, s2  }
0x8d: {  	s2 =	sadd.s32 s2, s16  }
0x8e: {  	[smem:$0x3FBE] =	sst s2  }
0x8f: {  	_ = 	snop  }
0x90: {  	(tm) =	ssettm $0x1  }
0x91: {  	s17 =	sld [smem:$0x3FFB];
	_ =	sdelay $0x3  }
0x92: {  	_ =	strace s17  }
0x93: {  	s2 =	sld [smem:$0x3FFC];
	_ =	sdelay $0x3  }
0x94: {  	_ =	strace s2  }
0x95: {  	s2 =	sld [smem:$0x3FFD];
	_ =	sdelay $0x3  }
0x96: {  	_ =	strace s2  }
0x97: {  	_ =	strace $0x8FFFFFFF  }
0x98: {  	s18 =	sld [smem:$0x3FDB];
	_ =	sdelay $0x1  }
0x99: {  	s19 =	simm.s32 $_scs_section_size  }
0x9a: {  	s4 =	simm.s32 $_size__tile_overlayer_lowered;
	s5 =	simm.s32 $_tile_overlayer_lowered  }
0x9b: {  	s22 =	simm.s32 $0x1BFF;
	s21 =	sshll.u32 s5, $0x1;
	s2 =	sadd.s32 s19, s18  }
0x9c: {  	s6 =	simm.s32 $0x0;
	s20 =	sshll.u32 s4, $0x1;
	s4 =	sadd.s32 s21, s2  }
0x9d: {  	[timem:s6], [sflag:s22] =	dma.local [hbm:s4], s20  }
0x9e: {  	_ =	swait.ge [sflag:s22], s20  }
0x9f: {  	s3 =	ssub.s32 $0x0, s20;
	[sflag:s22] =	ssyncset.done $0x0  }
0xa0: {  	[sflag:s22] =	ssyncadd.s32 s3;
	_ =	sdelay $0x1  }
0xa1: {  	s23 =	simm.s32 $0x1B8B  }
0xa2: {  	_ =	swait.ge [sflag:s23], $0x1  }
0xa3: {  	[sflag:s23] =	ssyncset.done $0x0  }
0xa4: {  	s25 =	simm.s32 $0x1B8E;
	s24 =	sld [smem:$0x3FFE];
	[sflag:s23] =	ssyncadd.s32 $0xFFFFFFFF  }
0xa5: {  	s26 =	simm.s32 $execute0_lowered;
	[smem:$0x3FD2] =	sst s25  }
0xa6: {  	s4 =	sshll.u32 s26, $0x1;
	_ =	strace $0x80000046;
	[dreg:$0x1] =	wrdreg $0xFFFFFFFF  }
0xa7: {  	s28 =	simm.s32 $_size_execute0_lowered;
	s2 =	sadd.s32 s2, s4;
	[dreg:$0x0] =	wrdreg $0x0  }
0xa8: {  	s4 =	sshll.u32 s28, $0x1;
	[dreg:$0x2] =	wrdreg s2  }
0xa9: {  	[dreg:$0x3] =	wrdreg s4  }
0xaa: {  	[dreg:$0x4] =	wrdreg $0xC0  }
0xab: {  	_ =	task [dreg:s6], $0x5FFFF  }
0xac: {  	[dreg:$0x1] =	wrdreg $0xFFFFFFFF  }
0xad: {  	[dreg:$0x0] =	wrdreg $0x60  }
0xae: {  	[dreg:$0x2] =	wrdreg s24  }
0xaf: {  	[dreg:$0x3] =	wrdreg $0x9  }
0xb0: {  	_ =	task.clear_ibuf [dreg:s6], $0x4FFFF;
	_ =	strace $0x90000046  }
0xb1: {  	s29 =	simm.s32 $0x9;
	_ =	strace $0x80000048  }
0xb2: {  	_ =	swait.ge [sflag:s29], $0x1  }
0xb3: {  	[sflag:s29] =	ssyncadd.s32 $0xFFFFFFFF  }
0xb4: {  	_ =	strace $0x90000048  }
0xb5: {  	_ =	sfence  }
0xb6: {  	s30 =	sld [smem:$0x0];
	_ =	sdelay $0x2  }
0xb7: {  	s31 =	sshll.u32 s1, $0xD;
	s1 =	sshrl.u32 s1, $0x2  }
0xb8: {  	s3 =	sand.u32 $0x4000, s31;
	s1 =	sadd.s32 s1, s30  }
0xb9: {  	s0 =	sor.u32 s3, s0;
	s1 =	sshll.u32 s1, $0x11  }
0xba: {  	s0 =	sor.u32 s1, s0  }
0xbb: {  	s0 =	sadd.s32 $0x8F2B, s0  }
0xbc: {  	[sflag:s0] =	ssyncadd.remote.s32 $0x1  }
0xbd: {  	_ =	sfence.sel $0xFFFF  }
0xbe: {  	[dreg:$0x0] =	wrdreg $0xFFFFFFFF;
	(pc) =	sbr.abs _section_cstart, $3  }
0xbf: {  	[dreg:$0x1] =	wrdreg $0xFFFFFFFF  }
0xc0: {  	_ =	task.clear_ibuf [dreg:s6], $0x2FFFF;
	_ =	strace $0x9FFFFFFF  }
0xc1: {  	(tm) =	ssettm $0x7FFFFFFF  }
tec
execute0_lowered:
.L_overlay_start_1:
0x0: {  	(tag) =	ssettag $0x1  }
0x1: {  	s1 =	srdreg.scid;
	s0 =	stileid.u32  }
0x2: {  	s4 =	rddreg [dreg:$0x0];
	s3 =	sand.u32 $0x1, s1;
	s30 =	sshll.u32 s0, $0x1  }
0x3: {  	s2 =	simm.s32 $0x0;
	s8 =	simm.s32 $0x2780;
	s5 =	sor.u32 s3, s30  }
0x4: {  	s9 =	simm.s32 $0x4F00;
	s1 =	rddreg [dreg:$0x1];
	s6 =	smul.u32 $0x2710, s5  }
0x5: {  	s10 =	simm.s32 $0x0;
	[smem:$0x7FF] =	sst s2;
	s5 =	smul.u32 $0xA00, s5  }
0x6: {  	_ =	strace $0x80000047;
	s3 =	ssub.s32 $0x2, s3;
	s6 =	sshrl.u32 s6, $0x3  }
0x7: {  	s31 =	sshrl.u32 s3, $0x1;
	s5 =	sadd.s32 s5, s4;
	s6 =	sadd.s32 s6, s4  }
0x8: {  	s7 =	ssub.s32 s3, s31;
	s5 =	sadd.s32 $0x15C00, s5;
	s3 =	sadd.s32 $0x2200, s6  }
0x9: {  	v0 =	vimm.f32 $0.0e+00;
	v1 =	vimm.f32 $1.000000000e+00;
	s4 =	sadd.s32 $0xBE40, s6;
	s6 =	smax.u32 s7, $0x1;
	s7 =	simm.s32 $0x1  }
.LBB2_1:
0xa: {  	[tilespmem:s2], [sflag:$0x1] =	stream.linear.gather [hbm4b:s3+s2], $0x2710, $0x38;
	[tilespmem:$0x9F00] =	vst v63  }
0xb: {  	_ =	swait.ge [sflag:s7], $0x2710  }
0xc: {  	[sflag:s7] =	ssyncset.done $0x0  }
0xd: {  	[sflag:s7] =	ssyncadd.s32 $0xFFFFD8F0  }
0xe: {  	[tilespmem:s8], [sflag:$0x1] =	stream.linear.gather [hbm4b:s4+s2], $0x2710, $0x38;
	[tilespmem:$0x9F00] =	vst v63  }
0xf: {  	_ =	swait.ge [sflag:s7], $0x2710  }
0x10: {  	[sflag:s7] =	ssyncset.done $0x0  }
0x11: {  	s13 =	simm.s32 $0x5000;
	[sflag:s7] =	ssyncadd.s32 $0xFFFFD8F0  }
0x12: {  	[tilespmem:s13+$0xFFFFFF00] =	vst v0  }
0x13: {  	[tilespmem:s13+$0xF0] =	vst v0  }
0x14: {  	[tilespmem:s13+$0xE0] =	vst v0  }
0x15: {  	[tilespmem:s13+$0xD0] =	vst v0  }
0x16: {  	[tilespmem:s13+$0xC0] =	vst v0  }
0x17: {  	[tilespmem:s13+$0xB0] =	vst v0  }
0x18: {  	[tilespmem:s13+$0xA0] =	vst v0  }
0x19: {  	[tilespmem:s13+$0x90] =	vst v0  }
0x1a: {  	[tilespmem:s13+$0x80] =	vst v0  }
0x1b: {  	[tilespmem:s13+$0x70] =	vst v0  }
0x1c: {  	[tilespmem:s13+$0x60] =	vst v0  }
0x1d: {  	[tilespmem:s13+$0x50] =	vst v0  }
0x1e: {  	[tilespmem:s13+$0x40] =	vst v0  }
0x1f: {  	[tilespmem:s13+$0x30] =	vst v0  }
0x20: {  	[tilespmem:s13+$0x20] =	vst v0  }
0x21: {  	[tilespmem:s13+$0x10] =	vst v0  }
0x22: {  	[tilespmem:s13+$0x0] =	vst v0  }
0x23: {  	[tilespmem:s13+$0xFFFFFFF0] =	vst v0  }
0x24: {  	[tilespmem:s13+$0xFFFFFFE0] =	vst v0  }
0x25: {  	[tilespmem:s13+$0xFFFFFFD0] =	vst v0  }
0x26: {  	[tilespmem:s13+$0xFFFFFFC0] =	vst v0  }
0x27: {  	[tilespmem:s13+$0xFFFFFFB0] =	vst v0  }
0x28: {  	[tilespmem:s13+$0xFFFFFFA0] =	vst v0  }
0x29: {  	[tilespmem:s13+$0xFFFFFF90] =	vst v0  }
0x2a: {  	[tilespmem:s13+$0xFFFFFF80] =	vst v0  }
0x2b: {  	[tilespmem:s13+$0xFFFFFF70] =	vst v0  }
0x2c: {  	[tilespmem:s13+$0xFFFFFF60] =	vst v0  }
0x2d: {  	[tilespmem:s13+$0xFFFFFF50] =	vst v0  }
0x2e: {  	[tilespmem:s13+$0xFFFFFF40] =	vst v0  }
0x2f: {  	[tilespmem:s13+$0xFFFFFF30] =	vst v0  }
0x30: {  	s14 =	simm.s32 $0x0;
	s11 =	simm.s32 $0x20;
	s12 =	simm.s32 $0x27A0;
	[tilespmem:s13+$0xFFFFFF20] =	vst v0  }
.LBB2_2:
0x31: {  	s14 =	sadd.s32 $0x4, s14;
	[tilespmem:s13+$0xFFFFFF10] =	vst v0;
	s13 =	sadd.s32 $0x200, s13  }
0x32: {  	[tilespmem:s13+$0xFFFFFF00] =	vst v0;
	p0 =	slt.u32 s14, $0x9C  }
0x33: {  	[tilespmem:s13+$0xF0] =	vst v0  }
0x34: {  	[tilespmem:s13+$0xE0] =	vst v0  }
0x35: {  	[tilespmem:s13+$0xD0] =	vst v0  }
0x36: {  	[tilespmem:s13+$0xC0] =	vst v0  }
0x37: {  	[tilespmem:s13+$0xB0] =	vst v0  }
0x38: {  	[tilespmem:s13+$0xA0] =	vst v0  }
0x39: {  	[tilespmem:s13+$0x90] =	vst v0  }
0x3a: {  	[tilespmem:s13+$0x80] =	vst v0  }
0x3b: {  	[tilespmem:s13+$0x70] =	vst v0  }
0x3c: {  	[tilespmem:s13+$0x60] =	vst v0  }
0x3d: {  	[tilespmem:s13+$0x50] =	vst v0  }
0x3e: {  	[tilespmem:s13+$0x40] =	vst v0  }
0x3f: {  	[tilespmem:s13+$0x30] =	vst v0  }
0x40: {  	[tilespmem:s13+$0x20] =	vst v0  }
0x41: {  	[tilespmem:s13+$0x10] =	vst v0  }
0x42: {  	[tilespmem:s13+$0x0] =	vst v0  }
0x43: {  	[tilespmem:s13+$0xFFFFFFF0] =	vst v0  }
0x44: {  	[tilespmem:s13+$0xFFFFFFE0] =	vst v0  }
0x45: {  	[tilespmem:s13+$0xFFFFFFD0] =	vst v0  }
0x46: {  	[tilespmem:s13+$0xFFFFFFC0] =	vst v0  }
0x47: {  	[tilespmem:s13+$0xFFFFFFB0] =	vst v0  }
0x48: {  	[tilespmem:s13+$0xFFFFFFA0] =	vst v0  }
0x49: {  	[tilespmem:s13+$0xFFFFFF90] =	vst v0  }
0x4a: {  	[tilespmem:s13+$0xFFFFFF80] =	vst v0  }
0x4b: {  	[tilespmem:s13+$0xFFFFFF70] =	vst v0  }
.Ltmp0:
0x4c: {  	[tilespmem:s13+$0xFFFFFF60] =	vst v0;
	(pc) =	sbr.rel @p0 .LBB2_2-.Ltmp0, $4  }
0x4d: {  	[tilespmem:s13+$0xFFFFFF50] =	vst v0  }
0x4e: {  	[tilespmem:s13+$0xFFFFFF40] =	vst v0  }
0x4f: {  	[tilespmem:s13+$0xFFFFFF30] =	vst v0  }
0x50: {  	[tilespmem:s13+$0xFFFFFF20] =	vst v0  }
0x51: {  	[tilespmem:s13+$0xFFFFFF10] =	vst v0  }
0x52: {  	v2 =	vld [tilespmem:s11+$0x20]  }
0x53: {  	v3 =	vld [tilespmem:s11+$0x10]  }
0x54: {  	v4 =	vld [tilespmem:s11+$0xFFFFFFE0]  }
0x55: {  	v5 =	vld [tilespmem:s11+$0x0]  }
0x56: {  	v6 =	vld [tilespmem:s11+$0xFFFFFFF0]  }
0x57: {  	v7 =	vld [tilespmem:s12+$0x20]  }
0x58: {  	v8 =	vld [tilespmem:s12+$0x10]  }
0x59: {  	v9 =	vld [tilespmem:s12+$0x0]  }
0x5a: {  	v10 =	vld [tilespmem:s12+$0xFFFFFFF0]  }
0x5b: {  	v11 =	vld [tilespmem:s12+$0xFFFFFFE0]  }
0x5c: {  	v60 =	vadd.s32 $0x2800, v7;
	[tilespmem:v4+s9+$0x0] =	vst.idx.add.f32.msk $0xffff, v1  }
0x5d: {  	v61 =	vadd.s32 $0x2800, v8;
	[tilespmem:v5+s9+$0x0] =	vst.idx.add.f32.msk $0xffff, v1  }
0x5e: {  	v62 =	vadd.s32 $0x2800, v9;
	[tilespmem:v6+s9+$0x0] =	vst.idx.add.f32.msk $0xffff, v1  }
0x5f: {  	v63 =	vadd.s32 $0x2800, v10;
	[tilespmem:v2+s9+$0x0] =	vst.idx.add.f32.msk $0xffff, v1  }
0x60: {  	[tilespmem:v3+s9+$0x0] =	vst.idx.add.f32.msk $0xffff, v1;
	v2 =	vadd.s32 $0x2800, v11  }
0x61: {  	[tilespmem:v60+s9+$0x0] =	vst.idx.add.f32.msk $0xffff, v1  }
0x62: {  	[tilespmem:v61+s9+$0x0] =	vst.idx.add.f32.msk $0xffff, v1  }
0x63: {  	[tilespmem:v62+s9+$0x0] =	vst.idx.add.f32.msk $0xffff, v1  }
0x64: {  	s13 =	simm.s32 $0x0;
	[tilespmem:v63+s9+$0x0] =	vst.idx.add.f32.msk $0xffff, v1  }
.LBB2_4:
0x65: {  	s13 =	sadd.s32 $0x5, s13;
	[tilespmem:v2+s9+$0x0] =	vst.idx.add.f32.msk $0xffff, v1;
	s11 =	sadd.s32 $0x50, s11;
	s12 =	sadd.s32 $0x50, s12  }
0x66: {  	v2 =	vld [tilespmem:s11+$0x20];
	p0 =	slt.u32 s13, $0x26C  }
0x67: {  	v3 =	vld [tilespmem:s11+$0x10]  }
0x68: {  	v4 =	vld [tilespmem:s11+$0xFFFFFFE0]  }
0x69: {  	v5 =	vld [tilespmem:s11+$0x0]  }
0x6a: {  	v6 =	vld [tilespmem:s11+$0xFFFFFFF0]  }
0x6b: {  	v7 =	vld [tilespmem:s12+$0x20]  }
0x6c: {  	v8 =	vld [tilespmem:s12+$0x10]  }
0x6d: {  	v9 =	vld [tilespmem:s12+$0x0]  }
0x6e: {  	v10 =	vld [tilespmem:s12+$0xFFFFFFF0]  }
0x6f: {  	v11 =	vld [tilespmem:s12+$0xFFFFFFE0]  }
0x70: {  	[tilespmem:v4+s9+$0x0] =	vst.idx.add.f32.msk $0xffff, v1;
	v4 =	vadd.s32 $0x2800, v7  }
0x71: {  	[tilespmem:v5+s9+$0x0] =	vst.idx.add.f32.msk $0xffff, v1;
	v5 =	vadd.s32 $0x2800, v8  }
0x72: {  	[tilespmem:v6+s9+$0x0] =	vst.idx.add.f32.msk $0xffff, v1;
	v6 =	vadd.s32 $0x2800, v9  }
0x73: {  	v7 =	vadd.s32 $0x2800, v10;
	[tilespmem:v2+s9+$0x0] =	vst.idx.add.f32.msk $0xffff, v1  }
.Ltmp1:
0x74: {  	v2 =	vadd.s32 $0x2800, v11;
	[tilespmem:v3+s9+$0x0] =	vst.idx.add.f32.msk $0xffff, v1;
	(pc) =	sbr.rel @p0 .LBB2_4-.Ltmp1, $4  }
0x75: {  	[tilespmem:v4+s9+$0x0] =	vst.idx.add.f32.msk $0xffff, v1  }
0x76: {  	[tilespmem:v5+s9+$0x0] =	vst.idx.add.f32.msk $0xffff, v1  }
0x77: {  	[tilespmem:v6+s9+$0x0] =	vst.idx.add.f32.msk $0xffff, v1  }
0x78: {  	[tilespmem:v7+s9+$0x0] =	vst.idx.add.f32.msk $0xffff, v1  }
0x79: {  	_ =	sdelay $0x1  }
0x7a: {  	s10 =	sadd.s32 $0x1, s10  }
0x7b: {  	p0 =	sne.s32 s10, s6  }
.Ltmp2:
0x7c: {  	[tilespmem:v2+s9+$0x0] =	vst.idx.add.f32.msk $0xffff, v1;
	(pc) =	sbr.rel @p0 .LBB2_1-.Ltmp2, $4  }
0x7d: {  	[hbm4b:s5+s2] =	stream.linear.scatter [tilespmem:s9], [sflag:$0x1], $0x5000, $0x38;
	[tilespmem:$0x9F00] =	vst v63  }
0x7e: {  	_ =	swait.ge [sflag:s7], $0x5000  }
0x7f: {  	[sflag:s7] =	ssyncset.done $0x0  }
0x80: {  	[sflag:s7] =	ssyncadd.s32 $0xFFFFB000  }
0x81: {  	_ =	sfence.sel $0x180000  }
0x82: {  	[bflag:$0x0] =	sbarrier.arrive $0xFFFF  }
0x83: {  	p0 =	sne.s32 s0, $0x0;
	_ =	strace $0x90000047  }
0x84: {  	s0 =	sadd.s32 @!p0 $0x100000, s1;
	[bflag:$0x2] =	sbarrier.arrive $0xFFFF  }
0x85: {  	[sflag:s0] =	ssyncadd.tile.s32 @!p0 $0x1;
	_ =	shalt  }
.Lfunc_end2:
_tile_overlayer_lowered:
.L_overlay_start_2:
0x86: {  	(tag) =	ssettag $0x2  }
0x87: {  	s0 =	rddreg [dreg:$0x0];
	s2 =	stileid.u32  }
0x88: {  	s1 =	rddreg [dreg:$0x1];
	p0 =	sne.s32 s2, $0x0  }
0x89: {  	s3 =	rddreg [dreg:$0x2];
	[bflag:$0x3] =	sbarrier.arrive $0xFFFF;
	s2 =	simm.s32 @!p0 $0x1C01  }
0x8a: {  	[timem:s3], [sflag:s2] =	dma.local @!p0 [hbm:s0], s1  }
0x8b: {  	s0 =	simm.s32 @!p0 $0x1  }
0x8c: {  	_ =	swait.ge @!p0 [sflag:s0], s1  }
0x8d: {  	s1 =	ssub.s32 @!p0 $0x0, s1;
	[sflag:s0] =	ssyncset.done @!p0 $0x0  }
0x8e: {  	[sflag:s0] =	ssyncadd.s32 @!p0 s1  }
0x8f: {  	[bflag:$0x3] =	sbarrier.arrive $0xFFFF  }
0x90: {  	_ =	shalt  }

</sc_bundles>
